<compile_context>
chip_gen: v7x
topology: tpu7x:2x2x1
jax: 0.10.2.dev20260603
libtpu: 0.0.44.dev20260713+nightly
codegen_flags: <defaults>
</compile_context>

<pallas_src>
import functools

import jax
import jax.numpy as jnp
from jax import lax
from jax.experimental import pallas as pl
from jax.experimental.pallas import tpu as pltpu
from jax.experimental.pallas import tpu_sc as plsc

EMB = 8
LSZ = 4
NW = 32
NJ = 512
REP = 8


def _vq_body(x_ref, wm2_ref, wt_ref, wn_ref, q_ref, p_ref):
    wm2 = wm2_ref[...]
    wt = wt_ref[...]
    wn = wn_ref[...]
    for l in range(LSZ):
        x = x_ref[l]
        dots = jax.lax.dot(wm2, x, preferred_element_type=jnp.float32)
        dist = dots + wn
        g = dist
        for k in (1, 2, 4):
            g = jnp.minimum(g, jnp.roll(g, k, axis=0))
        onehot = (dist == g).astype(jnp.float32)
        q = jax.lax.dot(wt, onehot, preferred_element_type=jnp.float32)
        q_ref[l] = q
        p_ref[l] = q


def _cb_sc_body(cbsrc_hbm, cb_hbm, buf, sem):
    wid = lax.axis_index("s") * 2 + lax.axis_index("c")
    pltpu.sync_copy(cbsrc_hbm, buf)
    j0 = wid * (NJ // NW)
    copies = []
    for e in range(EMB):
        for blk in range((NJ // NW) // REP):
            row0 = e * NJ + j0 + blk * REP
            copies.append(pltpu.async_copy(
                buf.at[e], cb_hbm.at[pl.ds(row0, REP)], sem))
    for c in copies:
        c.wait()


def kernel(latent, W):
    B = latent.shape[0]
    xt = latent.transpose(1, 2, 0)
    wm2 = (-2.0) * W
    wt = W.T
    wn = jnp.sum(W * W, axis=1, keepdims=True)
    cbsrc = jnp.broadcast_to(W[:, None, :, None],
                             (EMB, REP, EMB, 128)).reshape(EMB, REP, EMB * 128)

    C = 16384
    grid = (B // C,)
    qt, pt = pl.pallas_call(
        _vq_body,
        grid=grid,
        in_specs=[
            pl.BlockSpec((LSZ, EMB, C), lambda i: (0, 0, i)),
            pl.BlockSpec((EMB, EMB), lambda i: (0, 0)),
            pl.BlockSpec((EMB, EMB), lambda i: (0, 0)),
            pl.BlockSpec((EMB, 1), lambda i: (0, 0)),
        ],
        out_specs=[
            pl.BlockSpec((LSZ, EMB, C), lambda i: (0, 0, i)),
            pl.BlockSpec((LSZ, EMB, C), lambda i: (0, 0, i)),
        ],
        out_shape=[
            jax.ShapeDtypeStruct((LSZ, EMB, B), jnp.float32),
            jax.ShapeDtypeStruct((LSZ, EMB, B), jnp.float32),
        ],
    )(xt, wm2, wt, wn)

    cb_kernel = functools.partial(
        pl.kernel,
        out_type=jax.ShapeDtypeStruct((EMB * NJ, EMB * 128), jnp.float32),
        mesh=plsc.VectorSubcoreMesh(core_axis_name="c", subcore_axis_name="s"),
        scratch_types=[
            pltpu.VMEM((EMB, REP, EMB * 128), jnp.float32),
            pltpu.SemaphoreType.DMA,
        ],
    )(_cb_sc_body)
    cb4 = cb_kernel(cbsrc).reshape(EMB, NJ, EMB, 128)

    q = qt.transpose(2, 0, 1)
    p = pt.transpose(2, 0, 1)
    cb = cb4.transpose(0, 2, 1, 3).reshape(EMB, EMB, B).transpose(2, 0, 1)
    return (p, q, cb)

# --- scband reference (transcript-rebuilt; emitter-appended) ---
"""Pipeline reference for scband-tran-vector-quantizer-47777216201292 (READ-ONLY COPY).

The authoritative reference and input builder live on the scoring server;
editing this copy changes nothing except your own understanding.
"""

import jax, jax.numpy as jnp
import numpy as np

EMB_DIM = 8
EMB_SIZE = 8
LATENT_SIZE = 4
BATCH = 65536

def setup_inputs(seed: int = 0) -> dict:
    key = jax.random.key(seed)
    k1, k2 = jax.random.split(key)
    latent = jax.random.normal(k1, (BATCH, LATENT_SIZE, EMB_DIM), dtype=jnp.float32)
    # codebook initialized uniform(-1/embedding_size, 1/embedding_size)
    W = jax.random.uniform(k2, (EMB_SIZE, EMB_DIM), dtype=jnp.float32,
                           minval=-1.0 / EMB_SIZE, maxval=1.0 / EMB_SIZE)
    return {"latent": latent, "W": W}

def reference(latent, W):
    latent_flattened = latent.reshape(-1, EMB_DIM)
    distances = (jnp.sum(latent_flattened ** 2, axis=-1, keepdims=True)
                 + jnp.sum(W ** 2, axis=-1)
                 - 2.0 * jnp.matmul(latent_flattened, W.T))
    encoding_indices = jnp.argmin(distances, axis=-1)
    n = encoding_indices.shape[0]
    encodings = jnp.zeros((n, EMB_SIZE), dtype=jnp.float32).at[jnp.arange(n), encoding_indices].set(1.0)
    quantized_latent = jnp.matmul(encodings, W).reshape(latent.shape)
    policy_vq_latent = latent + jax.lax.stop_gradient(quantized_latent - latent)
    codebook_weight = jnp.broadcast_to(W[None, :, :], (latent.shape[0], EMB_SIZE, EMB_DIM))
    return (policy_vq_latent, quantized_latent, codebook_weight)

if __name__ == "__main__":
    import jax
    _d = setup_inputs()
    print(jax.jit(kernel)(*tuple(_d.values())))

</pallas_src>

<mosaic_0001>
#map = affine_map<(d0, d1) -> (0, 0, 0)>
#map1 = affine_map<(d0, d1) -> (0, 0)>
module attributes {stable_mosaic.version = 14 : i64} {
  func.func @_cb_sc_body(%arg0: i32, %arg1: i32, %arg2: memref<8x8x1024xf32, #tpu.memory_space<hbm>>, %arg3: memref<4096x1024xf32, #tpu.memory_space<hbm>>, %arg4: memref<8x8x1024xf32, #tpu.memory_space<vmem>>, %arg5: memref<!tpu.dma_semaphore, #tpu.memory_space<semaphore_mem>>) attributes {dimension_semantics = [#tpu.dimension_semantics<core_parallel>, #tpu.dimension_semantics<subcore_parallel>], iteration_bounds = array<i64: 2, 16>, scalar_prefetch = 0 : i64, scratch_operands = 2 : i64, tpu.core_type = #tpu.core_type<sc_vector_subcore>, window_params = [{transform_indices = #map}, {transform_indices = #map1}]} {
    %mul3A = arith.constant 2 : i32
    %mul3A_0 = arith.muli %arg1, %mul3A : i32
    %add3A = arith.addi %mul3A_0, %arg0 : i32
    "tpu.region"() ({
      %run_scoped3A = tpu.sem_alloc : memref<!tpu.dma_semaphore, #tpu.memory_space<semaphore_mem>>
      tpu.enqueue_dma source(%arg2 : memref<8x8x1024xf32, #tpu.memory_space<hbm>>) target(%arg4 : memref<8x8x1024xf32, #tpu.memory_space<vmem>>) target_semaphore(%run_scoped3A : memref<!tpu.dma_semaphore, #tpu.memory_space<semaphore_mem>>)
      tpu.wait_dma2 semaphore(%run_scoped3A : memref<!tpu.dma_semaphore, #tpu.memory_space<semaphore_mem>>) src(%arg2 : memref<8x8x1024xf32, #tpu.memory_space<hbm>>) dst(%arg4 : memref<8x8x1024xf32, #tpu.memory_space<vmem>>)
      tpu.yield
    }) : () -> ()
    %mul3A_1 = arith.constant 16 : i32
    %mul3A_2 = arith.muli %add3A, %mul3A_1 : i32
    %add3A_3 = arith.constant 0 : i32
    %add3A_4 = arith.addi %add3A_3, %mul3A_2 : i32
    %add3A_5 = arith.constant 0 : i32
    %add3A_6 = arith.addi %add3A_4, %add3A_5 : i32
    %dma_start3A = arith.constant 0 : i32
    %dma_start3A_7 = arith.constant 0 : i32
    %dma_start3A_8 = arith.constant 0 : i32
    %dma_start3A_9 = tpu.memref_slice %arg4[%dma_start3A, %dma_start3A_7, %dma_start3A_8] : memref<8x8x1024xf32, #tpu.memory_space<vmem>> -> memref<1x8x1024xf32, #tpu.memory_space<vmem>>
    %dma_start3A_10 = tpu.memref_squeeze %dma_start3A_9 : memref<1x8x1024xf32, #tpu.memory_space<vmem>> -> memref<8x1024xf32, #tpu.memory_space<vmem>>
    %dma_start3A_11 = arith.constant 0 : i32
    %dma_start3A_12 = tpu.memref_slice %arg3[%add3A_6, %dma_start3A_11] : memref<4096x1024xf32, #tpu.memory_space<hbm>> -> memref<8x1024xf32, #tpu.memory_space<hbm>>
    %dma_start3A_13 = arith.constant 0 : i32
    %dma_start3A_14 = tpu.memref_slice %arg3[%add3A_6, %dma_start3A_13] : memref<4096x1024xf32, #tpu.memory_space<hbm>> -> memref<8x1024xf32, #tpu.memory_space<hbm>>
    %dma_start3A_15 = arith.constant 0 : i32
    %dma_start3A_16 = arith.constant 0 : i32
    %dma_start3A_17 = tpu.memref_slice %arg4[%dma_start3A, %dma_start3A_15, %dma_start3A_16] : memref<8x8x1024xf32, #tpu.memory_space<vmem>> -> memref<1x8x1024xf32, #tpu.memory_space<vmem>>
    %dma_start3A_18 = tpu.memref_squeeze %dma_start3A_17 : memref<1x8x1024xf32, #tpu.memory_space<vmem>> -> memref<8x1024xf32, #tpu.memory_space<vmem>>
    tpu.enqueue_dma source(%dma_start3A_18 : memref<8x1024xf32, #tpu.memory_space<vmem>>) target(%dma_start3A_14 : memref<8x1024xf32, #tpu.memory_space<hbm>>) target_semaphore(%arg5 : memref<!tpu.dma_semaphore, #tpu.memory_space<semaphore_mem>>)
    %add3A_19 = arith.constant 0 : i32
    %add3A_20 = arith.addi %add3A_19, %mul3A_2 : i32
    %add3A_21 = arith.constant 8 : i32
    %add3A_22 = arith.addi %add3A_20, %add3A_21 : i32
    %dma_start3A_23 = arith.constant 0 : i32
    %dma_start3A_24 = arith.constant 0 : i32
    %dma_start3A_25 = arith.constant 0 : i32
    %dma_start3A_26 = tpu.memref_slice %arg4[%dma_start3A_23, %dma_start3A_24, %dma_start3A_25] : memref<8x8x1024xf32, #tpu.memory_space<vmem>> -> memref<1x8x1024xf32, #tpu.memory_space<vmem>>
    %dma_start3A_27 = tpu.memref_squeeze %dma_start3A_26 : memref<1x8x1024xf32, #tpu.memory_space<vmem>> -> memref<8x1024xf32, #tpu.memory_space<vmem>>
    %dma_start3A_28 = arith.constant 0 : i32
    %dma_start3A_29 = tpu.memref_slice %arg3[%add3A_22, %dma_start3A_28] : memref<4096x1024xf32, #tpu.memory_space<hbm>> -> memref<8x1024xf32, #tpu.memory_space<hbm>>
    %dma_start3A_30 = arith.constant 0 : i32
    %dma_start3A_31 = tpu.memref_slice %arg3[%add3A_22, %dma_start3A_30] : memref<4096x1024xf32, #tpu.memory_space<hbm>> -> memref<8x1024xf32, #tpu.memory_space<hbm>>
    %dma_start3A_32 = arith.constant 0 : i32
    %dma_start3A_33 = arith.constant 0 : i32
    %dma_start3A_34 = tpu.memref_slice %arg4[%dma_start3A_23, %dma_start3A_32, %dma_start3A_33] : memref<8x8x1024xf32, #tpu.memory_space<vmem>> -> memref<1x8x1024xf32, #tpu.memory_space<vmem>>
    %dma_start3A_35 = tpu.memref_squeeze %dma_start3A_34 : memref<1x8x1024xf32, #tpu.memory_space<vmem>> -> memref<8x1024xf32, #tpu.memory_space<vmem>>
    tpu.enqueue_dma source(%dma_start3A_35 : memref<8x1024xf32, #tpu.memory_space<vmem>>) target(%dma_start3A_31 : memref<8x1024xf32, #tpu.memory_space<hbm>>) target_semaphore(%arg5 : memref<!tpu.dma_semaphore, #tpu.memory_space<semaphore_mem>>)
    %add3A_36 = arith.constant 512 : i32
    %add3A_37 = arith.addi %add3A_36, %mul3A_2 : i32
    %add3A_38 = arith.constant 0 : i32
    %add3A_39 = arith.addi %add3A_37, %add3A_38 : i32
    %dma_start3A_40 = arith.constant 1 : i32
    %dma_start3A_41 = arith.constant 0 : i32
    %dma_start3A_42 = arith.constant 0 : i32
    %dma_start3A_43 = tpu.memref_slice %arg4[%dma_start3A_40, %dma_start3A_41, %dma_start3A_42] : memref<8x8x1024xf32, #tpu.memory_space<vmem>> -> memref<1x8x1024xf32, #tpu.memory_space<vmem>>
    %dma_start3A_44 = tpu.memref_squeeze %dma_start3A_43 : memref<1x8x1024xf32, #tpu.memory_space<vmem>> -> memref<8x1024xf32, #tpu.memory_space<vmem>>
    %dma_start3A_45 = arith.constant 0 : i32
    %dma_start3A_46 = tpu.memref_slice %arg3[%add3A_39, %dma_start3A_45] : memref<4096x1024xf32, #tpu.memory_space<hbm>> -> memref<8x1024xf32, #tpu.memory_space<hbm>>
    %dma_start3A_47 = arith.constant 0 : i32
    %dma_start3A_48 = tpu.memref_slice %arg3[%add3A_39, %dma_start3A_47] : memref<4096x1024xf32, #tpu.memory_space<hbm>> -> memref<8x1024xf32, #tpu.memory_space<hbm>>
    %dma_start3A_49 = arith.constant 0 : i32
    %dma_start3A_50 = arith.constant 0 : i32
    %dma_start3A_51 = tpu.memref_slice %arg4[%dma_start3A_40, %dma_start3A_49, %dma_start3A_50] : memref<8x8x1024xf32, #tpu.memory_space<vmem>> -> memref<1x8x1024xf32, #tpu.memory_space<vmem>>
    %dma_start3A_52 = tpu.memref_squeeze %dma_start3A_51 : memref<1x8x1024xf32, #tpu.memory_space<vmem>> -> memref<8x1024xf32, #tpu.memory_space<vmem>>
    tpu.enqueue_dma source(%dma_start3A_52 : memref<8x1024xf32, #tpu.memory_space<vmem>>) target(%dma_start3A_48 : memref<8x1024xf32, #tpu.memory_space<hbm>>) target_semaphore(%arg5 : memref<!tpu.dma_semaphore, #tpu.memory_space<semaphore_mem>>)
    %add3A_53 = arith.constant 512 : i32
    %add3A_54 = arith.addi %add3A_53, %mul3A_2 : i32
    %add3A_55 = arith.constant 8 : i32
    %add3A_56 = arith.addi %add3A_54, %add3A_55 : i32
    %dma_start3A_57 = arith.constant 1 : i32
    %dma_start3A_58 = arith.constant 0 : i32
    %dma_start3A_59 = arith.constant 0 : i32
    %dma_start3A_60 = tpu.memref_slice %arg4[%dma_start3A_57, %dma_start3A_58, %dma_start3A_59] : memref<8x8x1024xf32, #tpu.memory_space<vmem>> -> memref<1x8x1024xf32, #tpu.memory_space<vmem>>
    %dma_start3A_61 = tpu.memref_squeeze %dma_start3A_60 : memref<1x8x1024xf32, #tpu.memory_space<vmem>> -> memref<8x1024xf32, #tpu.memory_space<vmem>>
    %dma_start3A_62 = arith.constant 0 : i32
    %dma_start3A_63 = tpu.memref_slice %arg3[%add3A_56, %dma_start3A_62] : memref<4096x1024xf32, #tpu.memory_space<hbm>> -> memref<8x1024xf32, #tpu.memory_space<hbm>>
    %dma_start3A_64 = arith.constant 0 : i32
    %dma_start3A_65 = tpu.memref_slice %arg3[%add3A_56, %dma_start3A_64] : memref<4096x1024xf32, #tpu.memory_space<hbm>> -> memref<8x1024xf32, #tpu.memory_space<hbm>>
    %dma_start3A_66 = arith.constant 0 : i32
    %dma_start3A_67 = arith.constant 0 : i32
    %dma_start3A_68 = tpu.memref_slice %arg4[%dma_start3A_57, %dma_start3A_66, %dma_start3A_67] : memref<8x8x1024xf32, #tpu.memory_space<vmem>> -> memref<1x8x1024xf32, #tpu.memory_space<vmem>>
    %dma_start3A_69 = tpu.memref_squeeze %dma_start3A_68 : memref<1x8x1024xf32, #tpu.memory_space<vmem>> -> memref<8x1024xf32, #tpu.memory_space<vmem>>
    tpu.enqueue_dma source(%dma_start3A_69 : memref<8x1024xf32, #tpu.memory_space<vmem>>) target(%dma_start3A_65 : memref<8x1024xf32, #tpu.memory_space<hbm>>) target_semaphore(%arg5 : memref<!tpu.dma_semaphore, #tpu.memory_space<semaphore_mem>>)
    %add3A_70 = arith.constant 1024 : i32
    %add3A_71 = arith.addi %add3A_70, %mul3A_2 : i32
    %add3A_72 = arith.constant 0 : i32
    %add3A_73 = arith.addi %add3A_71, %add3A_72 : i32
    %dma_start3A_74 = arith.constant 2 : i32
    %dma_start3A_75 = arith.constant 0 : i32
    %dma_start3A_76 = arith.constant 0 : i32
    %dma_start3A_77 = tpu.memref_slice %arg4[%dma_start3A_74, %dma_start3A_75, %dma_start3A_76] : memref<8x8x1024xf32, #tpu.memory_space<vmem>> -> memref<1x8x1024xf32, #tpu.memory_space<vmem>>
    %dma_start3A_78 = tpu.memref_squeeze %dma_start3A_77 : memref<1x8x1024xf32, #tpu.memory_space<vmem>> -> memref<8x1024xf32, #tpu.memory_space<vmem>>
    %dma_start3A_79 = arith.constant 0 : i32
    %dma_start3A_80 = tpu.memref_slice %arg3[%add3A_73, %dma_start3A_79] : memref<4096x1024xf32, #tpu.memory_space<hbm>> -> memref<8x1024xf32, #tpu.memory_space<hbm>>
    %dma_start3A_81 = arith.constant 0 : i32
    %dma_start3A_82 = tpu.memref_slice %arg3[%add3A_73, %dma_start3A_81] : memref<4096x1024xf32, #tpu.memory_space<hbm>> -> memref<8x1024xf32, #tpu.memory_space<hbm>>
    %dma_start3A_83 = arith.constant 0 : i32
    %dma_start3A_84 = arith.constant 0 : i32
    %dma_start3A_85 = tpu.memref_slice %arg4[%dma_start3A_74, %dma_start3A_83, %dma_start3A_84] : memref<8x8x1024xf32, #tpu.memory_space<vmem>> -> memref<1x8x1024xf32, #tpu.memory_space<vmem>>
    %dma_start3A_86 = tpu.memref_squeeze %dma_start3A_85 : memref<1x8x1024xf32, #tpu.memory_space<vmem>> -> memref<8x1024xf32, #tpu.memory_space<vmem>>
    tpu.enqueue_dma source(%dma_start3A_86 : memref<8x1024xf32, #tpu.memory_space<vmem>>) target(%dma_start3A_82 : memref<8x1024xf32, #tpu.memory_space<hbm>>) target_semaphore(%arg5 : memref<!tpu.dma_semaphore, #tpu.memory_space<semaphore_mem>>)
    %add3A_87 = arith.constant 1024 : i32
    %add3A_88 = arith.addi %add3A_87, %mul3A_2 : i32
    %add3A_89 = arith.constant 8 : i32
    %add3A_90 = arith.addi %add3A_88, %add3A_89 : i32
    %dma_start3A_91 = arith.constant 2 : i32
    %dma_start3A_92 = arith.constant 0 : i32
    %dma_start3A_93 = arith.constant 0 : i32
    %dma_start3A_94 = tpu.memref_slice %arg4[%dma_start3A_91, %dma_start3A_92, %dma_start3A_93] : memref<8x8x1024xf32, #tpu.memory_space<vmem>> -> memref<1x8x1024xf32, #tpu.memory_space<vmem>>
    %dma_start3A_95 = tpu.memref_squeeze %dma_start3A_94 : memref<1x8x1024xf32, #tpu.memory_space<vmem>> -> memref<8x1024xf32, #tpu.memory_space<vmem>>
    %dma_start3A_96 = arith.constant 0 : i32
    %dma_start3A_97 = tpu.memref_slice %arg3[%add3A_90, %dma_start3A_96] : memref<4096x1024xf32, #tpu.memory_space<hbm>> -> memref<8x1024xf32, #tpu.memory_space<hbm>>
    %dma_start3A_98 = arith.constant 0 : i32
    %dma_start3A_99 = tpu.memref_slice %arg3[%add3A_90, %dma_start3A_98] : memref<4096x1024xf32, #tpu.memory_space<hbm>> -> memref<8x1024xf32, #tpu.memory_space<hbm>>
    %dma_start3A_100 = arith.constant 0 : i32
    %dma_start3A_101 = arith.constant 0 : i32
    %dma_start3A_102 = tpu.memref_slice %arg4[%dma_start3A_91, %dma_start3A_100, %dma_start3A_101] : memref<8x8x1024xf32, #tpu.memory_space<vmem>> -> memref<1x8x1024xf32, #tpu.memory_space<vmem>>
    %dma_start3A_103 = tpu.memref_squeeze %dma_start3A_102 : memref<1x8x1024xf32, #tpu.memory_space<vmem>> -> memref<8x1024xf32, #tpu.memory_space<vmem>>
    tpu.enqueue_dma source(%dma_start3A_103 : memref<8x1024xf32, #tpu.memory_space<vmem>>) target(%dma_start3A_99 : memref<8x1024xf32, #tpu.memory_space<hbm>>) target_semaphore(%arg5 : memref<!tpu.dma_semaphore, #tpu.memory_space<semaphore_mem>>)
    %add3A_104 = arith.constant 1536 : i32
    %add3A_105 = arith.addi %add3A_104, %mul3A_2 : i32
    %add3A_106 = arith.constant 0 : i32
    %add3A_107 = arith.addi %add3A_105, %add3A_106 : i32
    %dma_start3A_108 = arith.constant 3 : i32
    %dma_start3A_109 = arith.constant 0 : i32
    %dma_start3A_110 = arith.constant 0 : i32
    %dma_start3A_111 = tpu.memref_slice %arg4[%dma_start3A_108, %dma_start3A_109, %dma_start3A_110] : memref<8x8x1024xf32, #tpu.memory_space<vmem>> -> memref<1x8x1024xf32, #tpu.memory_space<vmem>>
    %dma_start3A_112 = tpu.memref_squeeze %dma_start3A_111 : memref<1x8x1024xf32, #tpu.memory_space<vmem>> -> memref<8x1024xf32, #tpu.memory_space<vmem>>
    %dma_start3A_113 = arith.constant 0 : i32
    %dma_start3A_114 = tpu.memref_slice %arg3[%add3A_107, %dma_start3A_113] : memref<4096x1024xf32, #tpu.memory_space<hbm>> -> memref<8x1024xf32, #tpu.memory_space<hbm>>
    %dma_start3A_115 = arith.constant 0 : i32
    %dma_start3A_116 = tpu.memref_slice %arg3[%add3A_107, %dma_start3A_115] : memref<4096x1024xf32, #tpu.memory_space<hbm>> -> memref<8x1024xf32, #tpu.memory_space<hbm>>
    %dma_start3A_117 = arith.constant 0 : i32
    %dma_start3A_118 = arith.constant 0 : i32
    %dma_start3A_119 = tpu.memref_slice %arg4[%dma_start3A_108, %dma_start3A_117, %dma_start3A_118] : memref<8x8x1024xf32, #tpu.memory_space<vmem>> -> memref<1x8x1024xf32, #tpu.memory_space<vmem>>
    %dma_start3A_120 = tpu.memref_squeeze %dma_start3A_119 : memref<1x8x1024xf32, #tpu.memory_space<vmem>> -> memref<8x1024xf32, #tpu.memory_space<vmem>>
    tpu.enqueue_dma source(%dma_start3A_120 : memref<8x1024xf32, #tpu.memory_space<vmem>>) target(%dma_start3A_116 : memref<8x1024xf32, #tpu.memory_space<hbm>>) target_semaphore(%arg5 : memref<!tpu.dma_semaphore, #tpu.memory_space<semaphore_mem>>)
    %add3A_121 = arith.constant 1536 : i32
    %add3A_122 = arith.addi %add3A_121, %mul3A_2 : i32
    %add3A_123 = arith.constant 8 : i32
    %add3A_124 = arith.addi %add3A_122, %add3A_123 : i32
    %dma_start3A_125 = arith.constant 3 : i32
    %dma_start3A_126 = arith.constant 0 : i32
    %dma_start3A_127 = arith.constant 0 : i32
    %dma_start3A_128 = tpu.memref_slice %arg4[%dma_start3A_125, %dma_start3A_126, %dma_start3A_127] : memref<8x8x1024xf32, #tpu.memory_space<vmem>> -> memref<1x8x1024xf32, #tpu.memory_space<vmem>>
    %dma_start3A_129 = tpu.memref_squeeze %dma_start3A_128 : memref<1x8x1024xf32, #tpu.memory_space<vmem>> -> memref<8x1024xf32, #tpu.memory_space<vmem>>
    %dma_start3A_130 = arith.constant 0 : i32
    %dma_start3A_131 = tpu.memref_slice %arg3[%add3A_124, %dma_start3A_130] : memref<4096x1024xf32, #tpu.memory_space<hbm>> -> memref<8x1024xf32, #tpu.memory_space<hbm>>
    %dma_start3A_132 = arith.constant 0 : i32
    %dma_start3A_133 = tpu.memref_slice %arg3[%add3A_124, %dma_start3A_132] : memref<4096x1024xf32, #tpu.memory_space<hbm>> -> memref<8x1024xf32, #tpu.memory_space<hbm>>
    %dma_start3A_134 = arith.constant 0 : i32
    %dma_start3A_135 = arith.constant 0 : i32
    %dma_start3A_136 = tpu.memref_slice %arg4[%dma_start3A_125, %dma_start3A_134, %dma_start3A_135] : memref<8x8x1024xf32, #tpu.memory_space<vmem>> -> memref<1x8x1024xf32, #tpu.memory_space<vmem>>
    %dma_start3A_137 = tpu.memref_squeeze %dma_start3A_136 : memref<1x8x1024xf32, #tpu.memory_space<vmem>> -> memref<8x1024xf32, #tpu.memory_space<vmem>>
    tpu.enqueue_dma source(%dma_start3A_137 : memref<8x1024xf32, #tpu.memory_space<vmem>>) target(%dma_start3A_133 : memref<8x1024xf32, #tpu.memory_space<hbm>>) target_semaphore(%arg5 : memref<!tpu.dma_semaphore, #tpu.memory_space<semaphore_mem>>)
    %add3A_138 = arith.constant 2048 : i32
    %add3A_139 = arith.addi %add3A_138, %mul3A_2 : i32
    %add3A_140 = arith.constant 0 : i32
    %add3A_141 = arith.addi %add3A_139, %add3A_140 : i32
    %dma_start3A_142 = arith.constant 4 : i32
    %dma_start3A_143 = arith.constant 0 : i32
    %dma_start3A_144 = arith.constant 0 : i32
    %dma_start3A_145 = tpu.memref_slice %arg4[%dma_start3A_142, %dma_start3A_143, %dma_start3A_144] : memref<8x8x1024xf32, #tpu.memory_space<vmem>> -> memref<1x8x1024xf32, #tpu.memory_space<vmem>>
    %dma_start3A_146 = tpu.memref_squeeze %dma_start3A_145 : memref<1x8x1024xf32, #tpu.memory_space<vmem>> -> memref<8x1024xf32, #tpu.memory_space<vmem>>
    %dma_start3A_147 = arith.constant 0 : i32
    %dma_start3A_148 = tpu.memref_slice %arg3[%add3A_141, %dma_start3A_147] : memref<4096x1024xf32, #tpu.memory_space<hbm>> -> memref<8x1024xf32, #tpu.memory_space<hbm>>
    %dma_start3A_149 = arith.constant 0 : i32
    %dma_start3A_150 = tpu.memref_slice %arg3[%add3A_141, %dma_start3A_149] : memref<4096x1024xf32, #tpu.memory_space<hbm>> -> memref<8x1024xf32, #tpu.memory_space<hbm>>
    %dma_start3A_151 = arith.constant 0 : i32
    %dma_start3A_152 = arith.constant 0 : i32
    %dma_start3A_153 = tpu.memref_slice %arg4[%dma_start3A_142, %dma_start3A_151, %dma_start3A_152] : memref<8x8x1024xf32, #tpu.memory_space<vmem>> -> memref<1x8x1024xf32, #tpu.memory_space<vmem>>
    %dma_start3A_154 = tpu.memref_squeeze %dma_start3A_153 : memref<1x8x1024xf32, #tpu.memory_space<vmem>> -> memref<8x1024xf32, #tpu.memory_space<vmem>>
    tpu.enqueue_dma source(%dma_start3A_154 : memref<8x1024xf32, #tpu.memory_space<vmem>>) target(%dma_start3A_150 : memref<8x1024xf32, #tpu.memory_space<hbm>>) target_semaphore(%arg5 : memref<!tpu.dma_semaphore, #tpu.memory_space<semaphore_mem>>)
    %add3A_155 = arith.constant 2048 : i32
    %add3A_156 = arith.addi %add3A_155, %mul3A_2 : i32
    %add3A_157 = arith.constant 8 : i32
    %add3A_158 = arith.addi %add3A_156, %add3A_157 : i32
    %dma_start3A_159 = arith.constant 4 : i32
    %dma_start3A_160 = arith.constant 0 : i32
    %dma_start3A_161 = arith.constant 0 : i32
    %dma_start3A_162 = tpu.memref_slice %arg4[%dma_start3A_159, %dma_start3A_160, %dma_start3A_161] : memref<8x8x1024xf32, #tpu.memory_space<vmem>> -> memref<1x8x1024xf32, #tpu.memory_space<vmem>>
    %dma_start3A_163 = tpu.memref_squeeze %dma_start3A_162 : memref<1x8x1024xf32, #tpu.memory_space<vmem>> -> memref<8x1024xf32, #tpu.memory_space<vmem>>
    %dma_start3A_164 = arith.constant 0 : i32
    %dma_start3A_165 = tpu.memref_slice %arg3[%add3A_158, %dma_start3A_164] : memref<4096x1024xf32, #tpu.memory_space<hbm>> -> memref<8x1024xf32, #tpu.memory_space<hbm>>
    %dma_start3A_166 = arith.constant 0 : i32
    %dma_start3A_167 = tpu.memref_slice %arg3[%add3A_158, %dma_start3A_166] : memref<4096x1024xf32, #tpu.memory_space<hbm>> -> memref<8x1024xf32, #tpu.memory_space<hbm>>
    %dma_start3A_168 = arith.constant 0 : i32
    %dma_start3A_169 = arith.constant 0 : i32
    %dma_start3A_170 = tpu.memref_slice %arg4[%dma_start3A_159, %dma_start3A_168, %dma_start3A_169] : memref<8x8x1024xf32, #tpu.memory_space<vmem>> -> memref<1x8x1024xf32, #tpu.memory_space<vmem>>
    %dma_start3A_171 = tpu.memref_squeeze %dma_start3A_170 : memref<1x8x1024xf32, #tpu.memory_space<vmem>> -> memref<8x1024xf32, #tpu.memory_space<vmem>>
    tpu.enqueue_dma source(%dma_start3A_171 : memref<8x1024xf32, #tpu.memory_space<vmem>>) target(%dma_start3A_167 : memref<8x1024xf32, #tpu.memory_space<hbm>>) target_semaphore(%arg5 : memref<!tpu.dma_semaphore, #tpu.memory_space<semaphore_mem>>)
    %add3A_172 = arith.constant 2560 : i32
    %add3A_173 = arith.addi %add3A_172, %mul3A_2 : i32
    %add3A_174 = arith.constant 0 : i32
    %add3A_175 = arith.addi %add3A_173, %add3A_174 : i32
    %dma_start3A_176 = arith.constant 5 : i32
    %dma_start3A_177 = arith.constant 0 : i32
    %dma_start3A_178 = arith.constant 0 : i32
    %dma_start3A_179 = tpu.memref_slice %arg4[%dma_start3A_176, %dma_start3A_177, %dma_start3A_178] : memref<8x8x1024xf32, #tpu.memory_space<vmem>> -> memref<1x8x1024xf32, #tpu.memory_space<vmem>>
    %dma_start3A_180 = tpu.memref_squeeze %dma_start3A_179 : memref<1x8x1024xf32, #tpu.memory_space<vmem>> -> memref<8x1024xf32, #tpu.memory_space<vmem>>
    %dma_start3A_181 = arith.constant 0 : i32
    %dma_start3A_182 = tpu.memref_slice %arg3[%add3A_175, %dma_start3A_181] : memref<4096x1024xf32, #tpu.memory_space<hbm>> -> memref<8x1024xf32, #tpu.memory_space<hbm>>
    %dma_start3A_183 = arith.constant 0 : i32
    %dma_start3A_184 = tpu.memref_slice %arg3[%add3A_175, %dma_start3A_183] : memref<4096x1024xf32, #tpu.memory_space<hbm>> -> memref<8x1024xf32, #tpu.memory_space<hbm>>
    %dma_start3A_185 = arith.constant 0 : i32
    %dma_start3A_186 = arith.constant 0 : i32
    %dma_start3A_187 = tpu.memref_slice %arg4[%dma_start3A_176, %dma_start3A_185, %dma_start3A_186] : memref<8x8x1024xf32, #tpu.memory_space<vmem>> -> memref<1x8x1024xf32, #tpu.memory_space<vmem>>
    %dma_start3A_188 = tpu.memref_squeeze %dma_start3A_187 : memref<1x8x1024xf32, #tpu.memory_space<vmem>> -> memref<8x1024xf32, #tpu.memory_space<vmem>>
    tpu.enqueue_dma source(%dma_start3A_188 : memref<8x1024xf32, #tpu.memory_space<vmem>>) target(%dma_start3A_184 : memref<8x1024xf32, #tpu.memory_space<hbm>>) target_semaphore(%arg5 : memref<!tpu.dma_semaphore, #tpu.memory_space<semaphore_mem>>)
    %add3A_189 = arith.constant 2560 : i32
    %add3A_190 = arith.addi %add3A_189, %mul3A_2 : i32
    %add3A_191 = arith.constant 8 : i32
    %add3A_192 = arith.addi %add3A_190, %add3A_191 : i32
    %dma_start3A_193 = arith.constant 5 : i32
    %dma_start3A_194 = arith.constant 0 : i32
    %dma_start3A_195 = arith.constant 0 : i32
    %dma_start3A_196 = tpu.memref_slice %arg4[%dma_start3A_193, %dma_start3A_194, %dma_start3A_195] : memref<8x8x1024xf32, #tpu.memory_space<vmem>> -> memref<1x8x1024xf32, #tpu.memory_space<vmem>>
    %dma_start3A_197 = tpu.memref_squeeze %dma_start3A_196 : memref<1x8x1024xf32, #tpu.memory_space<vmem>> -> memref<8x1024xf32, #tpu.memory_space<vmem>>
    %dma_start3A_198 = arith.constant 0 : i32
    %dma_start3A_199 = tpu.memref_slice %arg3[%add3A_192, %dma_start3A_198] : memref<4096x1024xf32, #tpu.memory_space<hbm>> -> memref<8x1024xf32, #tpu.memory_space<hbm>>
    %dma_start3A_200 = arith.constant 0 : i32
    %dma_start3A_201 = tpu.memref_slice %arg3[%add3A_192, %dma_start3A_200] : memref<4096x1024xf32, #tpu.memory_space<hbm>> -> memref<8x1024xf32, #tpu.memory_space<hbm>>
    %dma_start3A_202 = arith.constant 0 : i32
    %dma_start3A_203 = arith.constant 0 : i32
    %dma_start3A_204 = tpu.memref_slice %arg4[%dma_start3A_193, %dma_start3A_202, %dma_start3A_203] : memref<8x8x1024xf32, #tpu.memory_space<vmem>> -> memref<1x8x1024xf32, #tpu.memory_space<vmem>>
    %dma_start3A_205 = tpu.memref_squeeze %dma_start3A_204 : memref<1x8x1024xf32, #tpu.memory_space<vmem>> -> memref<8x1024xf32, #tpu.memory_space<vmem>>
    tpu.enqueue_dma source(%dma_start3A_205 : memref<8x1024xf32, #tpu.memory_space<vmem>>) target(%dma_start3A_201 : memref<8x1024xf32, #tpu.memory_space<hbm>>) target_semaphore(%arg5 : memref<!tpu.dma_semaphore, #tpu.memory_space<semaphore_mem>>)
    %add3A_206 = arith.constant 3072 : i32
    %add3A_207 = arith.addi %add3A_206, %mul3A_2 : i32
    %add3A_208 = arith.constant 0 : i32
    %add3A_209 = arith.addi %add3A_207, %add3A_208 : i32
    %dma_start3A_210 = arith.constant 6 : i32
    %dma_start3A_211 = arith.constant 0 : i32
    %dma_start3A_212 = arith.constant 0 : i32
    %dma_start3A_213 = tpu.memref_slice %arg4[%dma_start3A_210, %dma_start3A_211, %dma_start3A_212] : memref<8x8x1024xf32, #tpu.memory_space<vmem>> -> memref<1x8x1024xf32, #tpu.memory_space<vmem>>
    %dma_start3A_214 = tpu.memref_squeeze %dma_start3A_213 : memref<1x8x1024xf32, #tpu.memory_space<vmem>> -> memref<8x1024xf32, #tpu.memory_space<vmem>>
    %dma_start3A_215 = arith.constant 0 : i32
    %dma_start3A_216 = tpu.memref_slice %arg3[%add3A_209, %dma_start3A_215] : memref<4096x1024xf32, #tpu.memory_space<hbm>> -> memref<8x1024xf32, #tpu.memory_space<hbm>>
    %dma_start3A_217 = arith.constant 0 : i32
    %dma_start3A_218 = tpu.memref_slice %arg3[%add3A_209, %dma_start3A_217] : memref<4096x1024xf32, #tpu.memory_space<hbm>> -> memref<8x1024xf32, #tpu.memory_space<hbm>>
    %dma_start3A_219 = arith.constant 0 : i32
    %dma_start3A_220 = arith.constant 0 : i32
    %dma_start3A_221 = tpu.memref_slice %arg4[%dma_start3A_210, %dma_start3A_219, %dma_start3A_220] : memref<8x8x1024xf32, #tpu.memory_space<vmem>> -> memref<1x8x1024xf32, #tpu.memory_space<vmem>>
    %dma_start3A_222 = tpu.memref_squeeze %dma_start3A_221 : memref<1x8x1024xf32, #tpu.memory_space<vmem>> -> memref<8x1024xf32, #tpu.memory_space<vmem>>
    tpu.enqueue_dma source(%dma_start3A_222 : memref<8x1024xf32, #tpu.memory_space<vmem>>) target(%dma_start3A_218 : memref<8x1024xf32, #tpu.memory_space<hbm>>) target_semaphore(%arg5 : memref<!tpu.dma_semaphore, #tpu.memory_space<semaphore_mem>>)
    %add3A_223 = arith.constant 3072 : i32
    %add3A_224 = arith.addi %add3A_223, %mul3A_2 : i32
    %add3A_225 = arith.constant 8 : i32
    %add3A_226 = arith.addi %add3A_224, %add3A_225 : i32
    %dma_start3A_227 = arith.constant 6 : i32
    %dma_start3A_228 = arith.constant 0 : i32
    %dma_start3A_229 = arith.constant 0 : i32
    %dma_start3A_230 = tpu.memref_slice %arg4[%dma_start3A_227, %dma_start3A_228, %dma_start3A_229] : memref<8x8x1024xf32, #tpu.memory_space<vmem>> -> memref<1x8x1024xf32, #tpu.memory_space<vmem>>
    %dma_start3A_231 = tpu.memref_squeeze %dma_start3A_230 : memref<1x8x1024xf32, #tpu.memory_space<vmem>> -> memref<8x1024xf32, #tpu.memory_space<vmem>>
    %dma_start3A_232 = arith.constant 0 : i32
    %dma_start3A_233 = tpu.memref_slice %arg3[%add3A_226, %dma_start3A_232] : memref<4096x1024xf32, #tpu.memory_space<hbm>> -> memref<8x1024xf32, #tpu.memory_space<hbm>>
    %dma_start3A_234 = arith.constant 0 : i32
    %dma_start3A_235 = tpu.memref_slice %arg3[%add3A_226, %dma_start3A_234] : memref<4096x1024xf32, #tpu.memory_space<hbm>> -> memref<8x1024xf32, #tpu.memory_space<hbm>>
    %dma_start3A_236 = arith.constant 0 : i32
    %dma_start3A_237 = arith.constant 0 : i32
    %dma_start3A_238 = tpu.memref_slice %arg4[%dma_start3A_227, %dma_start3A_236, %dma_start3A_237] : memref<8x8x1024xf32, #tpu.memory_space<vmem>> -> memref<1x8x1024xf32, #tpu.memory_space<vmem>>
    %dma_start3A_239 = tpu.memref_squeeze %dma_start3A_238 : memref<1x8x1024xf32, #tpu.memory_space<vmem>> -> memref<8x1024xf32, #tpu.memory_space<vmem>>
    tpu.enqueue_dma source(%dma_start3A_239 : memref<8x1024xf32, #tpu.memory_space<vmem>>) target(%dma_start3A_235 : memref<8x1024xf32, #tpu.memory_space<hbm>>) target_semaphore(%arg5 : memref<!tpu.dma_semaphore, #tpu.memory_space<semaphore_mem>>)
    %add3A_240 = arith.constant 3584 : i32
    %add3A_241 = arith.addi %add3A_240, %mul3A_2 : i32
    %add3A_242 = arith.constant 0 : i32
    %add3A_243 = arith.addi %add3A_241, %add3A_242 : i32
    %dma_start3A_244 = arith.constant 7 : i32
    %dma_start3A_245 = arith.constant 0 : i32
    %dma_start3A_246 = arith.constant 0 : i32
    %dma_start3A_247 = tpu.memref_slice %arg4[%dma_start3A_244, %dma_start3A_245, %dma_start3A_246] : memref<8x8x1024xf32, #tpu.memory_space<vmem>> -> memref<1x8x1024xf32, #tpu.memory_space<vmem>>
    %dma_start3A_248 = tpu.memref_squeeze %dma_start3A_247 : memref<1x8x1024xf32, #tpu.memory_space<vmem>> -> memref<8x1024xf32, #tpu.memory_space<vmem>>
    %dma_start3A_249 = arith.constant 0 : i32
    %dma_start3A_250 = tpu.memref_slice %arg3[%add3A_243, %dma_start3A_249] : memref<4096x1024xf32, #tpu.memory_space<hbm>> -> memref<8x1024xf32, #tpu.memory_space<hbm>>
    %dma_start3A_251 = arith.constant 0 : i32
    %dma_start3A_252 = tpu.memref_slice %arg3[%add3A_243, %dma_start3A_251] : memref<4096x1024xf32, #tpu.memory_space<hbm>> -> memref<8x1024xf32, #tpu.memory_space<hbm>>
    %dma_start3A_253 = arith.constant 0 : i32
    %dma_start3A_254 = arith.constant 0 : i32
    %dma_start3A_255 = tpu.memref_slice %arg4[%dma_start3A_244, %dma_start3A_253, %dma_start3A_254] : memref<8x8x1024xf32, #tpu.memory_space<vmem>> -> memref<1x8x1024xf32, #tpu.memory_space<vmem>>
    %dma_start3A_256 = tpu.memref_squeeze %dma_start3A_255 : memref<1x8x1024xf32, #tpu.memory_space<vmem>> -> memref<8x1024xf32, #tpu.memory_space<vmem>>
    tpu.enqueue_dma source(%dma_start3A_256 : memref<8x1024xf32, #tpu.memory_space<vmem>>) target(%dma_start3A_252 : memref<8x1024xf32, #tpu.memory_space<hbm>>) target_semaphore(%arg5 : memref<!tpu.dma_semaphore, #tpu.memory_space<semaphore_mem>>)
    %add3A_257 = arith.constant 3584 : i32
    %add3A_258 = arith.addi %add3A_257, %mul3A_2 : i32
    %add3A_259 = arith.constant 8 : i32
    %add3A_260 = arith.addi %add3A_258, %add3A_259 : i32
    %dma_start3A_261 = arith.constant 7 : i32
    %dma_start3A_262 = arith.constant 0 : i32
    %dma_start3A_263 = arith.constant 0 : i32
    %dma_start3A_264 = tpu.memref_slice %arg4[%dma_start3A_261, %dma_start3A_262, %dma_start3A_263] : memref<8x8x1024xf32, #tpu.memory_space<vmem>> -> memref<1x8x1024xf32, #tpu.memory_space<vmem>>
    %dma_start3A_265 = tpu.memref_squeeze %dma_start3A_264 : memref<1x8x1024xf32, #tpu.memory_space<vmem>> -> memref<8x1024xf32, #tpu.memory_space<vmem>>
    %dma_start3A_266 = arith.constant 0 : i32
    %dma_start3A_267 = tpu.memref_slice %arg3[%add3A_260, %dma_start3A_266] : memref<4096x1024xf32, #tpu.memory_space<hbm>> -> memref<8x1024xf32, #tpu.memory_space<hbm>>
    %dma_start3A_268 = arith.constant 0 : i32
    %dma_start3A_269 = tpu.memref_slice %arg3[%add3A_260, %dma_start3A_268] : memref<4096x1024xf32, #tpu.memory_space<hbm>> -> memref<8x1024xf32, #tpu.memory_space<hbm>>
    %dma_start3A_270 = arith.constant 0 : i32
    %dma_start3A_271 = arith.constant 0 : i32
    %dma_start3A_272 = tpu.memref_slice %arg4[%dma_start3A_261, %dma_start3A_270, %dma_start3A_271] : memref<8x8x1024xf32, #tpu.memory_space<vmem>> -> memref<1x8x1024xf32, #tpu.memory_space<vmem>>
    %dma_start3A_273 = tpu.memref_squeeze %dma_start3A_272 : memref<1x8x1024xf32, #tpu.memory_space<vmem>> -> memref<8x1024xf32, #tpu.memory_space<vmem>>
    tpu.enqueue_dma source(%dma_start3A_273 : memref<8x1024xf32, #tpu.memory_space<vmem>>) target(%dma_start3A_269 : memref<8x1024xf32, #tpu.memory_space<hbm>>) target_semaphore(%arg5 : memref<!tpu.dma_semaphore, #tpu.memory_space<semaphore_mem>>)
    %dma_wait3A = arith.constant 0 : i32
    %dma_wait3A_274 = arith.constant 0 : i32
    %dma_wait3A_275 = arith.constant 0 : i32
    %dma_wait3A_276 = tpu.memref_slice %arg4[%dma_wait3A, %dma_wait3A_274, %dma_wait3A_275] : memref<8x8x1024xf32, #tpu.memory_space<vmem>> -> memref<1x8x1024xf32, #tpu.memory_space<vmem>>
    %dma_wait3A_277 = tpu.memref_squeeze %dma_wait3A_276 : memref<1x8x1024xf32, #tpu.memory_space<vmem>> -> memref<8x1024xf32, #tpu.memory_space<vmem>>
    %dma_wait3A_278 = arith.constant 0 : i32
    %dma_wait3A_279 = tpu.memref_slice %arg3[%add3A_6, %dma_wait3A_278] : memref<4096x1024xf32, #tpu.memory_space<hbm>> -> memref<8x1024xf32, #tpu.memory_space<hbm>>
    %dma_wait3A_280 = arith.constant 0 : i32
    %dma_wait3A_281 = tpu.memref_slice %arg3[%add3A_6, %dma_wait3A_280] : memref<4096x1024xf32, #tpu.memory_space<hbm>> -> memref<8x1024xf32, #tpu.memory_space<hbm>>
    %dma_wait3A_282 = arith.constant 0 : i32
    %dma_wait3A_283 = arith.constant 0 : i32
    %dma_wait3A_284 = tpu.memref_slice %arg4[%dma_wait3A, %dma_wait3A_282, %dma_wait3A_283] : memref<8x8x1024xf32, #tpu.memory_space<vmem>> -> memref<1x8x1024xf32, #tpu.memory_space<vmem>>
    %dma_wait3A_285 = tpu.memref_squeeze %dma_wait3A_284 : memref<1x8x1024xf32, #tpu.memory_space<vmem>> -> memref<8x1024xf32, #tpu.memory_space<vmem>>
    tpu.wait_dma2 semaphore(%arg5 : memref<!tpu.dma_semaphore, #tpu.memory_space<semaphore_mem>>) src(%dma_wait3A_285 : memref<8x1024xf32, #tpu.memory_space<vmem>>) dst(%dma_wait3A_281 : memref<8x1024xf32, #tpu.memory_space<hbm>>)
    %dma_wait3A_286 = arith.constant 0 : i32
    %dma_wait3A_287 = arith.constant 0 : i32
    %dma_wait3A_288 = arith.constant 0 : i32
    %dma_wait3A_289 = tpu.memref_slice %arg4[%dma_wait3A_286, %dma_wait3A_287, %dma_wait3A_288] : memref<8x8x1024xf32, #tpu.memory_space<vmem>> -> memref<1x8x1024xf32, #tpu.memory_space<vmem>>
    %dma_wait3A_290 = tpu.memref_squeeze %dma_wait3A_289 : memref<1x8x1024xf32, #tpu.memory_space<vmem>> -> memref<8x1024xf32, #tpu.memory_space<vmem>>
    %dma_wait3A_291 = arith.constant 0 : i32
    %dma_wait3A_292 = tpu.memref_slice %arg3[%add3A_22, %dma_wait3A_291] : memref<4096x1024xf32, #tpu.memory_space<hbm>> -> memref<8x1024xf32, #tpu.memory_space<hbm>>
    %dma_wait3A_293 = arith.constant 0 : i32
    %dma_wait3A_294 = tpu.memref_slice %arg3[%add3A_22, %dma_wait3A_293] : memref<4096x1024xf32, #tpu.memory_space<hbm>> -> memref<8x1024xf32, #tpu.memory_space<hbm>>
    %dma_wait3A_295 = arith.constant 0 : i32
    %dma_wait3A_296 = arith.constant 0 : i32
    %dma_wait3A_297 = tpu.memref_slice %arg4[%dma_wait3A_286, %dma_wait3A_295, %dma_wait3A_296] : memref<8x8x1024xf32, #tpu.memory_space<vmem>> -> memref<1x8x1024xf32, #tpu.memory_space<vmem>>
    %dma_wait3A_298 = tpu.memref_squeeze %dma_wait3A_297 : memref<1x8x1024xf32, #tpu.memory_space<vmem>> -> memref<8x1024xf32, #tpu.memory_space<vmem>>
    tpu.wait_dma2 semaphore(%arg5 : memref<!tpu.dma_semaphore, #tpu.memory_space<semaphore_mem>>) src(%dma_wait3A_298 : memref<8x1024xf32, #tpu.memory_space<vmem>>) dst(%dma_wait3A_294 : memref<8x1024xf32, #tpu.memory_space<hbm>>)
    %dma_wait3A_299 = arith.constant 1 : i32
    %dma_wait3A_300 = arith.constant 0 : i32
    %dma_wait3A_301 = arith.constant 0 : i32
    %dma_wait3A_302 = tpu.memref_slice %arg4[%dma_wait3A_299, %dma_wait3A_300, %dma_wait3A_301] : memref<8x8x1024xf32, #tpu.memory_space<vmem>> -> memref<1x8x1024xf32, #tpu.memory_space<vmem>>
    %dma_wait3A_303 = tpu.memref_squeeze %dma_wait3A_302 : memref<1x8x1024xf32, #tpu.memory_space<vmem>> -> memref<8x1024xf32, #tpu.memory_space<vmem>>
    %dma_wait3A_304 = arith.constant 0 : i32
    %dma_wait3A_305 = tpu.memref_slice %arg3[%add3A_39, %dma_wait3A_304] : memref<4096x1024xf32, #tpu.memory_space<hbm>> -> memref<8x1024xf32, #tpu.memory_space<hbm>>
    %dma_wait3A_306 = arith.constant 0 : i32
    %dma_wait3A_307 = tpu.memref_slice %arg3[%add3A_39, %dma_wait3A_306] : memref<4096x1024xf32, #tpu.memory_space<hbm>> -> memref<8x1024xf32, #tpu.memory_space<hbm>>
    %dma_wait3A_308 = arith.constant 0 : i32
    %dma_wait3A_309 = arith.constant 0 : i32
    %dma_wait3A_310 = tpu.memref_slice %arg4[%dma_wait3A_299, %dma_wait3A_308, %dma_wait3A_309] : memref<8x8x1024xf32, #tpu.memory_space<vmem>> -> memref<1x8x1024xf32, #tpu.memory_space<vmem>>
    %dma_wait3A_311 = tpu.memref_squeeze %dma_wait3A_310 : memref<1x8x1024xf32, #tpu.memory_space<vmem>> -> memref<8x1024xf32, #tpu.memory_space<vmem>>
    tpu.wait_dma2 semaphore(%arg5 : memref<!tpu.dma_semaphore, #tpu.memory_space<semaphore_mem>>) src(%dma_wait3A_311 : memref<8x1024xf32, #tpu.memory_space<vmem>>) dst(%dma_wait3A_307 : memref<8x1024xf32, #tpu.memory_space<hbm>>)
    %dma_wait3A_312 = arith.constant 1 : i32
    %dma_wait3A_313 = arith.constant 0 : i32
    %dma_wait3A_314 = arith.constant 0 : i32
    %dma_wait3A_315 = tpu.memref_slice %arg4[%dma_wait3A_312, %dma_wait3A_313, %dma_wait3A_314] : memref<8x8x1024xf32, #tpu.memory_space<vmem>> -> memref<1x8x1024xf32, #tpu.memory_space<vmem>>
    %dma_wait3A_316 = tpu.memref_squeeze %dma_wait3A_315 : memref<1x8x1024xf32, #tpu.memory_space<vmem>> -> memref<8x1024xf32, #tpu.memory_space<vmem>>
    %dma_wait3A_317 = arith.constant 0 : i32
    %dma_wait3A_318 = tpu.memref_slice %arg3[%add3A_56, %dma_wait3A_317] : memref<4096x1024xf32, #tpu.memory_space<hbm>> -> memref<8x1024xf32, #tpu.memory_space<hbm>>
    %dma_wait3A_319 = arith.constant 0 : i32
    %dma_wait3A_320 = tpu.memref_slice %arg3[%add3A_56, %dma_wait3A_319] : memref<4096x1024xf32, #tpu.memory_space<hbm>> -> memref<8x1024xf32, #tpu.memory_space<hbm>>
    %dma_wait3A_321 = arith.constant 0 : i32
    %dma_wait3A_322 = arith.constant 0 : i32
    %dma_wait3A_323 = tpu.memref_slice %arg4[%dma_wait3A_312, %dma_wait3A_321, %dma_wait3A_322] : memref<8x8x1024xf32, #tpu.memory_space<vmem>> -> memref<1x8x1024xf32, #tpu.memory_space<vmem>>
    %dma_wait3A_324 = tpu.memref_squeeze %dma_wait3A_323 : memref<1x8x1024xf32, #tpu.memory_space<vmem>> -> memref<8x1024xf32, #tpu.memory_space<vmem>>
    tpu.wait_dma2 semaphore(%arg5 : memref<!tpu.dma_semaphore, #tpu.memory_space<semaphore_mem>>) src(%dma_wait3A_324 : memref<8x1024xf32, #tpu.memory_space<vmem>>) dst(%dma_wait3A_320 : memref<8x1024xf32, #tpu.memory_space<hbm>>)
    %dma_wait3A_325 = arith.constant 2 : i32
    %dma_wait3A_326 = arith.constant 0 : i32
    %dma_wait3A_327 = arith.constant 0 : i32
    %dma_wait3A_328 = tpu.memref_slice %arg4[%dma_wait3A_325, %dma_wait3A_326, %dma_wait3A_327] : memref<8x8x1024xf32, #tpu.memory_space<vmem>> -> memref<1x8x1024xf32, #tpu.memory_space<vmem>>
    %dma_wait3A_329 = tpu.memref_squeeze %dma_wait3A_328 : memref<1x8x1024xf32, #tpu.memory_space<vmem>> -> memref<8x1024xf32, #tpu.memory_space<vmem>>
    %dma_wait3A_330 = arith.constant 0 : i32
    %dma_wait3A_331 = tpu.memref_slice %arg3[%add3A_73, %dma_wait3A_330] : memref<4096x1024xf32, #tpu.memory_space<hbm>> -> memref<8x1024xf32, #tpu.memory_space<hbm>>
    %dma_wait3A_332 = arith.constant 0 : i32
    %dma_wait3A_333 = tpu.memref_slice %arg3[%add3A_73, %dma_wait3A_332] : memref<4096x1024xf32, #tpu.memory_space<hbm>> -> memref<8x1024xf32, #tpu.memory_space<hbm>>
    %dma_wait3A_334 = arith.constant 0 : i32
    %dma_wait3A_335 = arith.constant 0 : i32
    %dma_wait3A_336 = tpu.memref_slice %arg4[%dma_wait3A_325, %dma_wait3A_334, %dma_wait3A_335] : memref<8x8x1024xf32, #tpu.memory_space<vmem>> -> memref<1x8x1024xf32, #tpu.memory_space<vmem>>
    %dma_wait3A_337 = tpu.memref_squeeze %dma_wait3A_336 : memref<1x8x1024xf32, #tpu.memory_space<vmem>> -> memref<8x1024xf32, #tpu.memory_space<vmem>>
    tpu.wait_dma2 semaphore(%arg5 : memref<!tpu.dma_semaphore, #tpu.memory_space<semaphore_mem>>) src(%dma_wait3A_337 : memref<8x1024xf32, #tpu.memory_space<vmem>>) dst(%dma_wait3A_333 : memref<8x1024xf32, #tpu.memory_space<hbm>>)
    %dma_wait3A_338 = arith.constant 2 : i32
    %dma_wait3A_339 = arith.constant 0 : i32
    %dma_wait3A_340 = arith.constant 0 : i32
    %dma_wait3A_341 = tpu.memref_slice %arg4[%dma_wait3A_338, %dma_wait3A_339, %dma_wait3A_340] : memref<8x8x1024xf32, #tpu.memory_space<vmem>> -> memref<1x8x1024xf32, #tpu.memory_space<vmem>>
    %dma_wait3A_342 = tpu.memref_squeeze %dma_wait3A_341 : memref<1x8x1024xf32, #tpu.memory_space<vmem>> -> memref<8x1024xf32, #tpu.memory_space<vmem>>
    %dma_wait3A_343 = arith.constant 0 : i32
    %dma_wait3A_344 = tpu.memref_slice %arg3[%add3A_90, %dma_wait3A_343] : memref<4096x1024xf32, #tpu.memory_space<hbm>> -> memref<8x1024xf32, #tpu.memory_space<hbm>>
    %dma_wait3A_345 = arith.constant 0 : i32
    %dma_wait3A_346 = tpu.memref_slice %arg3[%add3A_90, %dma_wait3A_345] : memref<4096x1024xf32, #tpu.memory_space<hbm>> -> memref<8x1024xf32, #tpu.memory_space<hbm>>
    %dma_wait3A_347 = arith.constant 0 : i32
    %dma_wait3A_348 = arith.constant 0 : i32
    %dma_wait3A_349 = tpu.memref_slice %arg4[%dma_wait3A_338, %dma_wait3A_347, %dma_wait3A_348] : memref<8x8x1024xf32, #tpu.memory_space<vmem>> -> memref<1x8x1024xf32, #tpu.memory_space<vmem>>
    %dma_wait3A_350 = tpu.memref_squeeze %dma_wait3A_349 : memref<1x8x1024xf32, #tpu.memory_space<vmem>> -> memref<8x1024xf32, #tpu.memory_space<vmem>>
    tpu.wait_dma2 semaphore(%arg5 : memref<!tpu.dma_semaphore, #tpu.memory_space<semaphore_mem>>) src(%dma_wait3A_350 : memref<8x1024xf32, #tpu.memory_space<vmem>>) dst(%dma_wait3A_346 : memref<8x1024xf32, #tpu.memory_space<hbm>>)
    %dma_wait3A_351 = arith.constant 3 : i32
    %dma_wait3A_352 = arith.constant 0 : i32
    %dma_wait3A_353 = arith.constant 0 : i32
    %dma_wait3A_354 = tpu.memref_slice %arg4[%dma_wait3A_351, %dma_wait3A_352, %dma_wait3A_353] : memref<8x8x1024xf32, #tpu.memory_space<vmem>> -> memref<1x8x1024xf32, #tpu.memory_space<vmem>>
    %dma_wait3A_355 = tpu.memref_squeeze %dma_wait3A_354 : memref<1x8x1024xf32, #tpu.memory_space<vmem>> -> memref<8x1024xf32, #tpu.memory_space<vmem>>
    %dma_wait3A_356 = arith.constant 0 : i32
    %dma_wait3A_357 = tpu.memref_slice %arg3[%add3A_107, %dma_wait3A_356] : memref<4096x1024xf32, #tpu.memory_space<hbm>> -> memref<8x1024xf32, #tpu.memory_space<hbm>>
    %dma_wait3A_358 = arith.constant 0 : i32
    %dma_wait3A_359 = tpu.memref_slice %arg3[%add3A_107, %dma_wait3A_358] : memref<4096x1024xf32, #tpu.memory_space<hbm>> -> memref<8x1024xf32, #tpu.memory_space<hbm>>
    %dma_wait3A_360 = arith.constant 0 : i32
    %dma_wait3A_361 = arith.constant 0 : i32
    %dma_wait3A_362 = tpu.memref_slice %arg4[%dma_wait3A_351, %dma_wait3A_360, %dma_wait3A_361] : memref<8x8x1024xf32, #tpu.memory_space<vmem>> -> memref<1x8x1024xf32, #tpu.memory_space<vmem>>
    %dma_wait3A_363 = tpu.memref_squeeze %dma_wait3A_362 : memref<1x8x1024xf32, #tpu.memory_space<vmem>> -> memref<8x1024xf32, #tpu.memory_space<vmem>>
    tpu.wait_dma2 semaphore(%arg5 : memref<!tpu.dma_semaphore, #tpu.memory_space<semaphore_mem>>) src(%dma_wait3A_363 : memref<8x1024xf32, #tpu.memory_space<vmem>>) dst(%dma_wait3A_359 : memref<8x1024xf32, #tpu.memory_space<hbm>>)
    %dma_wait3A_364 = arith.constant 3 : i32
    %dma_wait3A_365 = arith.constant 0 : i32
    %dma_wait3A_366 = arith.constant 0 : i32
    %dma_wait3A_367 = tpu.memref_slice %arg4[%dma_wait3A_364, %dma_wait3A_365, %dma_wait3A_366] : memref<8x8x1024xf32, #tpu.memory_space<vmem>> -> memref<1x8x1024xf32, #tpu.memory_space<vmem>>
    %dma_wait3A_368 = tpu.memref_squeeze %dma_wait3A_367 : memref<1x8x1024xf32, #tpu.memory_space<vmem>> -> memref<8x1024xf32, #tpu.memory_space<vmem>>
    %dma_wait3A_369 = arith.constant 0 : i32
    %dma_wait3A_370 = tpu.memref_slice %arg3[%add3A_124, %dma_wait3A_369] : memref<4096x1024xf32, #tpu.memory_space<hbm>> -> memref<8x1024xf32, #tpu.memory_space<hbm>>
    %dma_wait3A_371 = arith.constant 0 : i32
    %dma_wait3A_372 = tpu.memref_slice %arg3[%add3A_124, %dma_wait3A_371] : memref<4096x1024xf32, #tpu.memory_space<hbm>> -> memref<8x1024xf32, #tpu.memory_space<hbm>>
    %dma_wait3A_373 = arith.constant 0 : i32
    %dma_wait3A_374 = arith.constant 0 : i32
    %dma_wait3A_375 = tpu.memref_slice %arg4[%dma_wait3A_364, %dma_wait3A_373, %dma_wait3A_374] : memref<8x8x1024xf32, #tpu.memory_space<vmem>> -> memref<1x8x1024xf32, #tpu.memory_space<vmem>>
    %dma_wait3A_376 = tpu.memref_squeeze %dma_wait3A_375 : memref<1x8x1024xf32, #tpu.memory_space<vmem>> -> memref<8x1024xf32, #tpu.memory_space<vmem>>
    tpu.wait_dma2 semaphore(%arg5 : memref<!tpu.dma_semaphore, #tpu.memory_space<semaphore_mem>>) src(%dma_wait3A_376 : memref<8x1024xf32, #tpu.memory_space<vmem>>) dst(%dma_wait3A_372 : memref<8x1024xf32, #tpu.memory_space<hbm>>)
    %dma_wait3A_377 = arith.constant 4 : i32
    %dma_wait3A_378 = arith.constant 0 : i32
    %dma_wait3A_379 = arith.constant 0 : i32
    %dma_wait3A_380 = tpu.memref_slice %arg4[%dma_wait3A_377, %dma_wait3A_378, %dma_wait3A_379] : memref<8x8x1024xf32, #tpu.memory_space<vmem>> -> memref<1x8x1024xf32, #tpu.memory_space<vmem>>
    %dma_wait3A_381 = tpu.memref_squeeze %dma_wait3A_380 : memref<1x8x1024xf32, #tpu.memory_space<vmem>> -> memref<8x1024xf32, #tpu.memory_space<vmem>>
    %dma_wait3A_382 = arith.constant 0 : i32
    %dma_wait3A_383 = tpu.memref_slice %arg3[%add3A_141, %dma_wait3A_382] : memref<4096x1024xf32, #tpu.memory_space<hbm>> -> memref<8x1024xf32, #tpu.memory_space<hbm>>
    %dma_wait3A_384 = arith.constant 0 : i32
    %dma_wait3A_385 = tpu.memref_slice %arg3[%add3A_141, %dma_wait3A_384] : memref<4096x1024xf32, #tpu.memory_space<hbm>> -> memref<8x1024xf32, #tpu.memory_space<hbm>>
    %dma_wait3A_386 = arith.constant 0 : i32
    %dma_wait3A_387 = arith.constant 0 : i32
    %dma_wait3A_388 = tpu.memref_slice %arg4[%dma_wait3A_377, %dma_wait3A_386, %dma_wait3A_387] : memref<8x8x1024xf32, #tpu.memory_space<vmem>> -> memref<1x8x1024xf32, #tpu.memory_space<vmem>>
    %dma_wait3A_389 = tpu.memref_squeeze %dma_wait3A_388 : memref<1x8x1024xf32, #tpu.memory_space<vmem>> -> memref<8x1024xf32, #tpu.memory_space<vmem>>
    tpu.wait_dma2 semaphore(%arg5 : memref<!tpu.dma_semaphore, #tpu.memory_space<semaphore_mem>>) src(%dma_wait3A_389 : memref<8x1024xf32, #tpu.memory_space<vmem>>) dst(%dma_wait3A_385 : memref<8x1024xf32, #tpu.memory_space<hbm>>)
    %dma_wait3A_390 = arith.constant 4 : i32
    %dma_wait3A_391 = arith.constant 0 : i32
    %dma_wait3A_392 = arith.constant 0 : i32
    %dma_wait3A_393 = tpu.memref_slice %arg4[%dma_wait3A_390, %dma_wait3A_391, %dma_wait3A_392] : memref<8x8x1024xf32, #tpu.memory_space<vmem>> -> memref<1x8x1024xf32, #tpu.memory_space<vmem>>
    %dma_wait3A_394 = tpu.memref_squeeze %dma_wait3A_393 : memref<1x8x1024xf32, #tpu.memory_space<vmem>> -> memref<8x1024xf32, #tpu.memory_space<vmem>>
    %dma_wait3A_395 = arith.constant 0 : i32
    %dma_wait3A_396 = tpu.memref_slice %arg3[%add3A_158, %dma_wait3A_395] : memref<4096x1024xf32, #tpu.memory_space<hbm>> -> memref<8x1024xf32, #tpu.memory_space<hbm>>
    %dma_wait3A_397 = arith.constant 0 : i32
    %dma_wait3A_398 = tpu.memref_slice %arg3[%add3A_158, %dma_wait3A_397] : memref<4096x1024xf32, #tpu.memory_space<hbm>> -> memref<8x1024xf32, #tpu.memory_space<hbm>>
    %dma_wait3A_399 = arith.constant 0 : i32
    %dma_wait3A_400 = arith.constant 0 : i32
    %dma_wait3A_401 = tpu.memref_slice %arg4[%dma_wait3A_390, %dma_wait3A_399, %dma_wait3A_400] : memref<8x8x1024xf32, #tpu.memory_space<vmem>> -> memref<1x8x1024xf32, #tpu.memory_space<vmem>>
    %dma_wait3A_402 = tpu.memref_squeeze %dma_wait3A_401 : memref<1x8x1024xf32, #tpu.memory_space<vmem>> -> memref<8x1024xf32, #tpu.memory_space<vmem>>
    tpu.wait_dma2 semaphore(%arg5 : memref<!tpu.dma_semaphore, #tpu.memory_space<semaphore_mem>>) src(%dma_wait3A_402 : memref<8x1024xf32, #tpu.memory_space<vmem>>) dst(%dma_wait3A_398 : memref<8x1024xf32, #tpu.memory_space<hbm>>)
    %dma_wait3A_403 = arith.constant 5 : i32
    %dma_wait3A_404 = arith.constant 0 : i32
    %dma_wait3A_405 = arith.constant 0 : i32
    %dma_wait3A_406 = tpu.memref_slice %arg4[%dma_wait3A_403, %dma_wait3A_404, %dma_wait3A_405] : memref<8x8x1024xf32, #tpu.memory_space<vmem>> -> memref<1x8x1024xf32, #tpu.memory_space<vmem>>
    %dma_wait3A_407 = tpu.memref_squeeze %dma_wait3A_406 : memref<1x8x1024xf32, #tpu.memory_space<vmem>> -> memref<8x1024xf32, #tpu.memory_space<vmem>>
    %dma_wait3A_408 = arith.constant 0 : i32
    %dma_wait3A_409 = tpu.memref_slice %arg3[%add3A_175, %dma_wait3A_408] : memref<4096x1024xf32, #tpu.memory_space<hbm>> -> memref<8x1024xf32, #tpu.memory_space<hbm>>
    %dma_wait3A_410 = arith.constant 0 : i32
    %dma_wait3A_411 = tpu.memref_slice %arg3[%add3A_175, %dma_wait3A_410] : memref<4096x1024xf32, #tpu.memory_space<hbm>> -> memref<8x1024xf32, #tpu.memory_space<hbm>>
    %dma_wait3A_412 = arith.constant 0 : i32
    %dma_wait3A_413 = arith.constant 0 : i32
    %dma_wait3A_414 = tpu.memref_slice %arg4[%dma_wait3A_403, %dma_wait3A_412, %dma_wait3A_413] : memref<8x8x1024xf32, #tpu.memory_space<vmem>> -> memref<1x8x1024xf32, #tpu.memory_space<vmem>>
    %dma_wait3A_415 = tpu.memref_squeeze %dma_wait3A_414 : memref<1x8x1024xf32, #tpu.memory_space<vmem>> -> memref<8x1024xf32, #tpu.memory_space<vmem>>
    tpu.wait_dma2 semaphore(%arg5 : memref<!tpu.dma_semaphore, #tpu.memory_space<semaphore_mem>>) src(%dma_wait3A_415 : memref<8x1024xf32, #tpu.memory_space<vmem>>) dst(%dma_wait3A_411 : memref<8x1024xf32, #tpu.memory_space<hbm>>)
    %dma_wait3A_416 = arith.constant 5 : i32
    %dma_wait3A_417 = arith.constant 0 : i32
    %dma_wait3A_418 = arith.constant 0 : i32
    %dma_wait3A_419 = tpu.memref_slice %arg4[%dma_wait3A_416, %dma_wait3A_417, %dma_wait3A_418] : memref<8x8x1024xf32, #tpu.memory_space<vmem>> -> memref<1x8x1024xf32, #tpu.memory_space<vmem>>
    %dma_wait3A_420 = tpu.memref_squeeze %dma_wait3A_419 : memref<1x8x1024xf32, #tpu.memory_space<vmem>> -> memref<8x1024xf32, #tpu.memory_space<vmem>>
    %dma_wait3A_421 = arith.constant 0 : i32
    %dma_wait3A_422 = tpu.memref_slice %arg3[%add3A_192, %dma_wait3A_421] : memref<4096x1024xf32, #tpu.memory_space<hbm>> -> memref<8x1024xf32, #tpu.memory_space<hbm>>
    %dma_wait3A_423 = arith.constant 0 : i32
    %dma_wait3A_424 = tpu.memref_slice %arg3[%add3A_192, %dma_wait3A_423] : memref<4096x1024xf32, #tpu.memory_space<hbm>> -> memref<8x1024xf32, #tpu.memory_space<hbm>>
    %dma_wait3A_425 = arith.constant 0 : i32
    %dma_wait3A_426 = arith.constant 0 : i32
    %dma_wait3A_427 = tpu.memref_slice %arg4[%dma_wait3A_416, %dma_wait3A_425, %dma_wait3A_426] : memref<8x8x1024xf32, #tpu.memory_space<vmem>> -> memref<1x8x1024xf32, #tpu.memory_space<vmem>>
    %dma_wait3A_428 = tpu.memref_squeeze %dma_wait3A_427 : memref<1x8x1024xf32, #tpu.memory_space<vmem>> -> memref<8x1024xf32, #tpu.memory_space<vmem>>
    tpu.wait_dma2 semaphore(%arg5 : memref<!tpu.dma_semaphore, #tpu.memory_space<semaphore_mem>>) src(%dma_wait3A_428 : memref<8x1024xf32, #tpu.memory_space<vmem>>) dst(%dma_wait3A_424 : memref<8x1024xf32, #tpu.memory_space<hbm>>)
    %dma_wait3A_429 = arith.constant 6 : i32
    %dma_wait3A_430 = arith.constant 0 : i32
    %dma_wait3A_431 = arith.constant 0 : i32
    %dma_wait3A_432 = tpu.memref_slice %arg4[%dma_wait3A_429, %dma_wait3A_430, %dma_wait3A_431] : memref<8x8x1024xf32, #tpu.memory_space<vmem>> -> memref<1x8x1024xf32, #tpu.memory_space<vmem>>
    %dma_wait3A_433 = tpu.memref_squeeze %dma_wait3A_432 : memref<1x8x1024xf32, #tpu.memory_space<vmem>> -> memref<8x1024xf32, #tpu.memory_space<vmem>>
    %dma_wait3A_434 = arith.constant 0 : i32
    %dma_wait3A_435 = tpu.memref_slice %arg3[%add3A_209, %dma_wait3A_434] : memref<4096x1024xf32, #tpu.memory_space<hbm>> -> memref<8x1024xf32, #tpu.memory_space<hbm>>
    %dma_wait3A_436 = arith.constant 0 : i32
    %dma_wait3A_437 = tpu.memref_slice %arg3[%add3A_209, %dma_wait3A_436] : memref<4096x1024xf32, #tpu.memory_space<hbm>> -> memref<8x1024xf32, #tpu.memory_space<hbm>>
    %dma_wait3A_438 = arith.constant 0 : i32
    %dma_wait3A_439 = arith.constant 0 : i32
    %dma_wait3A_440 = tpu.memref_slice %arg4[%dma_wait3A_429, %dma_wait3A_438, %dma_wait3A_439] : memref<8x8x1024xf32, #tpu.memory_space<vmem>> -> memref<1x8x1024xf32, #tpu.memory_space<vmem>>
    %dma_wait3A_441 = tpu.memref_squeeze %dma_wait3A_440 : memref<1x8x1024xf32, #tpu.memory_space<vmem>> -> memref<8x1024xf32, #tpu.memory_space<vmem>>
    tpu.wait_dma2 semaphore(%arg5 : memref<!tpu.dma_semaphore, #tpu.memory_space<semaphore_mem>>) src(%dma_wait3A_441 : memref<8x1024xf32, #tpu.memory_space<vmem>>) dst(%dma_wait3A_437 : memref<8x1024xf32, #tpu.memory_space<hbm>>)
    %dma_wait3A_442 = arith.constant 6 : i32
    %dma_wait3A_443 = arith.constant 0 : i32
    %dma_wait3A_444 = arith.constant 0 : i32
    %dma_wait3A_445 = tpu.memref_slice %arg4[%dma_wait3A_442, %dma_wait3A_443, %dma_wait3A_444] : memref<8x8x1024xf32, #tpu.memory_space<vmem>> -> memref<1x8x1024xf32, #tpu.memory_space<vmem>>
    %dma_wait3A_446 = tpu.memref_squeeze %dma_wait3A_445 : memref<1x8x1024xf32, #tpu.memory_space<vmem>> -> memref<8x1024xf32, #tpu.memory_space<vmem>>
    %dma_wait3A_447 = arith.constant 0 : i32
    %dma_wait3A_448 = tpu.memref_slice %arg3[%add3A_226, %dma_wait3A_447] : memref<4096x1024xf32, #tpu.memory_space<hbm>> -> memref<8x1024xf32, #tpu.memory_space<hbm>>
    %dma_wait3A_449 = arith.constant 0 : i32
    %dma_wait3A_450 = tpu.memref_slice %arg3[%add3A_226, %dma_wait3A_449] : memref<4096x1024xf32, #tpu.memory_space<hbm>> -> memref<8x1024xf32, #tpu.memory_space<hbm>>
    %dma_wait3A_451 = arith.constant 0 : i32
    %dma_wait3A_452 = arith.constant 0 : i32
    %dma_wait3A_453 = tpu.memref_slice %arg4[%dma_wait3A_442, %dma_wait3A_451, %dma_wait3A_452] : memref<8x8x1024xf32, #tpu.memory_space<vmem>> -> memref<1x8x1024xf32, #tpu.memory_space<vmem>>
    %dma_wait3A_454 = tpu.memref_squeeze %dma_wait3A_453 : memref<1x8x1024xf32, #tpu.memory_space<vmem>> -> memref<8x1024xf32, #tpu.memory_space<vmem>>
    tpu.wait_dma2 semaphore(%arg5 : memref<!tpu.dma_semaphore, #tpu.memory_space<semaphore_mem>>) src(%dma_wait3A_454 : memref<8x1024xf32, #tpu.memory_space<vmem>>) dst(%dma_wait3A_450 : memref<8x1024xf32, #tpu.memory_space<hbm>>)
    %dma_wait3A_455 = arith.constant 7 : i32
    %dma_wait3A_456 = arith.constant 0 : i32
    %dma_wait3A_457 = arith.constant 0 : i32
    %dma_wait3A_458 = tpu.memref_slice %arg4[%dma_wait3A_455, %dma_wait3A_456, %dma_wait3A_457] : memref<8x8x1024xf32, #tpu.memory_space<vmem>> -> memref<1x8x1024xf32, #tpu.memory_space<vmem>>
    %dma_wait3A_459 = tpu.memref_squeeze %dma_wait3A_458 : memref<1x8x1024xf32, #tpu.memory_space<vmem>> -> memref<8x1024xf32, #tpu.memory_space<vmem>>
    %dma_wait3A_460 = arith.constant 0 : i32
    %dma_wait3A_461 = tpu.memref_slice %arg3[%add3A_243, %dma_wait3A_460] : memref<4096x1024xf32, #tpu.memory_space<hbm>> -> memref<8x1024xf32, #tpu.memory_space<hbm>>
    %dma_wait3A_462 = arith.constant 0 : i32
    %dma_wait3A_463 = tpu.memref_slice %arg3[%add3A_243, %dma_wait3A_462] : memref<4096x1024xf32, #tpu.memory_space<hbm>> -> memref<8x1024xf32, #tpu.memory_space<hbm>>
    %dma_wait3A_464 = arith.constant 0 : i32
    %dma_wait3A_465 = arith.constant 0 : i32
    %dma_wait3A_466 = tpu.memref_slice %arg4[%dma_wait3A_455, %dma_wait3A_464, %dma_wait3A_465] : memref<8x8x1024xf32, #tpu.memory_space<vmem>> -> memref<1x8x1024xf32, #tpu.memory_space<vmem>>
    %dma_wait3A_467 = tpu.memref_squeeze %dma_wait3A_466 : memref<1x8x1024xf32, #tpu.memory_space<vmem>> -> memref<8x1024xf32, #tpu.memory_space<vmem>>
    tpu.wait_dma2 semaphore(%arg5 : memref<!tpu.dma_semaphore, #tpu.memory_space<semaphore_mem>>) src(%dma_wait3A_467 : memref<8x1024xf32, #tpu.memory_space<vmem>>) dst(%dma_wait3A_463 : memref<8x1024xf32, #tpu.memory_space<hbm>>)
    %dma_wait3A_468 = arith.constant 7 : i32
    %dma_wait3A_469 = arith.constant 0 : i32
    %dma_wait3A_470 = arith.constant 0 : i32
    %dma_wait3A_471 = tpu.memref_slice %arg4[%dma_wait3A_468, %dma_wait3A_469, %dma_wait3A_470] : memref<8x8x1024xf32, #tpu.memory_space<vmem>> -> memref<1x8x1024xf32, #tpu.memory_space<vmem>>
    %dma_wait3A_472 = tpu.memref_squeeze %dma_wait3A_471 : memref<1x8x1024xf32, #tpu.memory_space<vmem>> -> memref<8x1024xf32, #tpu.memory_space<vmem>>
    %dma_wait3A_473 = arith.constant 0 : i32
    %dma_wait3A_474 = tpu.memref_slice %arg3[%add3A_260, %dma_wait3A_473] : memref<4096x1024xf32, #tpu.memory_space<hbm>> -> memref<8x1024xf32, #tpu.memory_space<hbm>>
    %dma_wait3A_475 = arith.constant 0 : i32
    %dma_wait3A_476 = tpu.memref_slice %arg3[%add3A_260, %dma_wait3A_475] : memref<4096x1024xf32, #tpu.memory_space<hbm>> -> memref<8x1024xf32, #tpu.memory_space<hbm>>
    %dma_wait3A_477 = arith.constant 0 : i32
    %dma_wait3A_478 = arith.constant 0 : i32
    %dma_wait3A_479 = tpu.memref_slice %arg4[%dma_wait3A_468, %dma_wait3A_477, %dma_wait3A_478] : memref<8x8x1024xf32, #tpu.memory_space<vmem>> -> memref<1x8x1024xf32, #tpu.memory_space<vmem>>
    %dma_wait3A_480 = tpu.memref_squeeze %dma_wait3A_479 : memref<1x8x1024xf32, #tpu.memory_space<vmem>> -> memref<8x1024xf32, #tpu.memory_space<vmem>>
    tpu.wait_dma2 semaphore(%arg5 : memref<!tpu.dma_semaphore, #tpu.memory_space<semaphore_mem>>) src(%dma_wait3A_480 : memref<8x1024xf32, #tpu.memory_space<vmem>>) dst(%dma_wait3A_476 : memref<8x1024xf32, #tpu.memory_space<hbm>>)
    return
  }
}

module attributes {stable_mosaic.version = 14 : i64} {
  func.func @_vq_body(%arg0: i32, %arg1: memref<4x8x16384xf32, #tpu.memory_space<vmem>>, %arg2: memref<8x8xf32, #tpu.memory_space<vmem>>, %arg3: memref<8x8xf32, #tpu.memory_space<vmem>>, %arg4: memref<8x1xf32, #tpu.memory_space<vmem>>, %arg5: memref<4x8x16384xf32, #tpu.memory_space<vmem>>, %arg6: memref<4x8x16384xf32, #tpu.memory_space<vmem>>) attributes {dimension_semantics = [#tpu.dimension_semantics<arbitrary>], iteration_bounds = array<i64: 4>, scalar_prefetch = 0 : i64, scratch_operands = 0 : i64, tpu.core_type = #tpu.core_type<tc>, window_params = [{transform_indices = @transform_0, window_bounds = array<i64: 4, 8, 16384>}, {pipeline_mode = #tpu.pipeline_mode<synchronous>, transform_indices = @transform_1, window_bounds = array<i64: 8, 8>}, {pipeline_mode = #tpu.pipeline_mode<synchronous>, transform_indices = @transform_2, window_bounds = array<i64: 8, 8>}, {pipeline_mode = #tpu.pipeline_mode<synchronous>, transform_indices = @transform_3, window_bounds = array<i64: 8, 1>}, {transform_indices = @transform_4, window_bounds = array<i64: 4, 8, 16384>}, {transform_indices = @transform_5, window_bounds = array<i64: 4, 8, 16384>}]} {
    %get3A = arith.constant 0 : index
    %get3A_0 = arith.constant 0 : index
    %get3A_1 = vector.load %arg2[%get3A, %get3A_0] : memref<8x8xf32, #tpu.memory_space<vmem>>, vector<8x8xf32>
    %get3A_2 = arith.constant 0 : index
    %get3A_3 = arith.constant 0 : index
    %get3A_4 = vector.load %arg3[%get3A_2, %get3A_3] : memref<8x8xf32, #tpu.memory_space<vmem>>, vector<8x8xf32>
    %get3A_5 = arith.constant 0 : index
    %get3A_6 = arith.constant 0 : index
    %get3A_7 = vector.load %arg4[%get3A_5, %get3A_6] : memref<8x1xf32, #tpu.memory_space<vmem>>, vector<8x1xf32>
    %get3A_8 = arith.constant 0 : index
    %get3A_9 = arith.constant 0 : index
    %get3A_10 = arith.constant 0 : index
    %get3A_11 = vector.load %arg1[%get3A_8, %get3A_9, %get3A_10] : memref<4x8x16384xf32, #tpu.memory_space<vmem>>, vector<1x8x16384xf32>
    %get3A_12 = vector.shape_cast %get3A_11 : vector<1x8x16384xf32> to vector<8x16384xf32>
    %dot_general3A = arith.constant dense<0.000000e+00> : vector<8x16384xf32>
    %dot_general3A_13 = tpu.matmul %get3A_1, %get3A_12, %dot_general3A {dimension_numbers = #tpu.dot_dimension_numbers<[1], [0], [0], [1], [0, 0, 1, 1], [], []>, transpose_lhs_hint = false} : vector<8x8xf32>, vector<8x16384xf32>, vector<8x16384xf32> -> vector<8x16384xf32>
    %add3A = vector.broadcast %get3A_7 : vector<8x1xf32> to vector<8x16384xf32>
    %add3A_14 = arith.addf %dot_general3A_13, %add3A : vector<8x16384xf32>
    %slice3A = vector.extract_strided_slice %add3A_14 {offsets = [7, 0], sizes = [1, 16384], strides = [1, 1]} : vector<8x16384xf32> to vector<1x16384xf32>
    %slice3A_15 = vector.extract_strided_slice %add3A_14 {offsets = [0, 0], sizes = [7, 16384], strides = [1, 1]} : vector<8x16384xf32> to vector<7x16384xf32>
    %concatenate3A = tpu.concatenate %slice3A, %slice3A_15 in 0 : vector<1x16384xf32>, vector<7x16384xf32> -> vector<8x16384xf32>
    %min3A = arith.minimumf %add3A_14, %concatenate3A : vector<8x16384xf32>
    %slice3A_16 = vector.extract_strided_slice %min3A {offsets = [6, 0], sizes = [2, 16384], strides = [1, 1]} : vector<8x16384xf32> to vector<2x16384xf32>
    %slice3A_17 = vector.extract_strided_slice %min3A {offsets = [0, 0], sizes = [6, 16384], strides = [1, 1]} : vector<8x16384xf32> to vector<6x16384xf32>
    %concatenate3A_18 = tpu.concatenate %slice3A_16, %slice3A_17 in 0 : vector<2x16384xf32>, vector<6x16384xf32> -> vector<8x16384xf32>
    %min3A_19 = arith.minimumf %min3A, %concatenate3A_18 : vector<8x16384xf32>
    %slice3A_20 = vector.extract_strided_slice %min3A_19 {offsets = [4, 0], sizes = [4, 16384], strides = [1, 1]} : vector<8x16384xf32> to vector<4x16384xf32>
    %slice3A_21 = vector.extract_strided_slice %min3A_19 {offsets = [0, 0], sizes = [4, 16384], strides = [1, 1]} : vector<8x16384xf32> to vector<4x16384xf32>
    %concatenate3A_22 = tpu.concatenate %slice3A_20, %slice3A_21 in 0 : vector<4x16384xf32>, vector<4x16384xf32> -> vector<8x16384xf32>
    %min3A_23 = arith.minimumf %min3A_19, %concatenate3A_22 : vector<8x16384xf32>
    %eq3A = arith.cmpf oeq, %add3A_14, %min3A_23 : vector<8x16384xf32>
    %convert_element_type3A = arith.extui %eq3A : vector<8x16384xi1> to vector<8x16384xi32>
    %convert_element_type3A_24 = arith.sitofp %convert_element_type3A : vector<8x16384xi32> to vector<8x16384xf32>
    %dot_general3A_25 = arith.constant dense<0.000000e+00> : vector<8x16384xf32>
    %dot_general3A_26 = tpu.matmul %get3A_4, %convert_element_type3A_24, %dot_general3A_25 {dimension_numbers = #tpu.dot_dimension_numbers<[1], [0], [0], [1], [0, 0, 1, 1], [], []>, transpose_lhs_hint = false} : vector<8x8xf32>, vector<8x16384xf32>, vector<8x16384xf32> -> vector<8x16384xf32>
    %swap3A = arith.constant 0 : index
    %swap3A_27 = arith.constant 0 : index
    %swap3A_28 = arith.constant 0 : index
    %swap3A_29 = vector.load %arg5[%swap3A, %swap3A_27, %swap3A_28] : memref<4x8x16384xf32, #tpu.memory_space<vmem>>, vector<1x8x16384xf32>
    %swap3A_30 = vector.shape_cast %swap3A_29 : vector<1x8x16384xf32> to vector<8x16384xf32>
    %swap3A_31 = vector.shape_cast %dot_general3A_26 : vector<8x16384xf32> to vector<1x8x16384xf32>
    tpu.vector_store %arg5[%swap3A, %swap3A_27, %swap3A_28], %swap3A_31 {strides = array<i32>} : memref<4x8x16384xf32, #tpu.memory_space<vmem>>, vector<1x8x16384xf32>,
    %swap3A_32 = arith.constant 0 : index
    %swap3A_33 = arith.constant 0 : index
    %swap3A_34 = arith.constant 0 : index
    %swap3A_35 = vector.load %arg6[%swap3A_32, %swap3A_33, %swap3A_34] : memref<4x8x16384xf32, #tpu.memory_space<vmem>>, vector<1x8x16384xf32>
    %swap3A_36 = vector.shape_cast %swap3A_35 : vector<1x8x16384xf32> to vector<8x16384xf32>
    %swap3A_37 = vector.shape_cast %dot_general3A_26 : vector<8x16384xf32> to vector<1x8x16384xf32>
    tpu.vector_store %arg6[%swap3A_32, %swap3A_33, %swap3A_34], %swap3A_37 {strides = array<i32>} : memref<4x8x16384xf32, #tpu.memory_space<vmem>>, vector<1x8x16384xf32>,
    %get3A_38 = arith.constant 1 : index
    %get3A_39 = arith.constant 0 : index
    %get3A_40 = arith.constant 0 : index
    %get3A_41 = vector.load %arg1[%get3A_38, %get3A_39, %get3A_40] : memref<4x8x16384xf32, #tpu.memory_space<vmem>>, vector<1x8x16384xf32>
    %get3A_42 = vector.shape_cast %get3A_41 : vector<1x8x16384xf32> to vector<8x16384xf32>
    %dot_general3A_43 = arith.constant dense<0.000000e+00> : vector<8x16384xf32>
    %dot_general3A_44 = tpu.matmul %get3A_1, %get3A_42, %dot_general3A_43 {dimension_numbers = #tpu.dot_dimension_numbers<[1], [0], [0], [1], [0, 0, 1, 1], [], []>, transpose_lhs_hint = false} : vector<8x8xf32>, vector<8x16384xf32>, vector<8x16384xf32> -> vector<8x16384xf32>
    %add3A_45 = vector.broadcast %get3A_7 : vector<8x1xf32> to vector<8x16384xf32>
    %add3A_46 = arith.addf %dot_general3A_44, %add3A_45 : vector<8x16384xf32>
    %slice3A_47 = vector.extract_strided_slice %add3A_46 {offsets = [7, 0], sizes = [1, 16384], strides = [1, 1]} : vector<8x16384xf32> to vector<1x16384xf32>
    %slice3A_48 = vector.extract_strided_slice %add3A_46 {offsets = [0, 0], sizes = [7, 16384], strides = [1, 1]} : vector<8x16384xf32> to vector<7x16384xf32>
    %concatenate3A_49 = tpu.concatenate %slice3A_47, %slice3A_48 in 0 : vector<1x16384xf32>, vector<7x16384xf32> -> vector<8x16384xf32>
    %min3A_50 = arith.minimumf %add3A_46, %concatenate3A_49 : vector<8x16384xf32>
    %slice3A_51 = vector.extract_strided_slice %min3A_50 {offsets = [6, 0], sizes = [2, 16384], strides = [1, 1]} : vector<8x16384xf32> to vector<2x16384xf32>
    %slice3A_52 = vector.extract_strided_slice %min3A_50 {offsets = [0, 0], sizes = [6, 16384], strides = [1, 1]} : vector<8x16384xf32> to vector<6x16384xf32>
    %concatenate3A_53 = tpu.concatenate %slice3A_51, %slice3A_52 in 0 : vector<2x16384xf32>, vector<6x16384xf32> -> vector<8x16384xf32>
    %min3A_54 = arith.minimumf %min3A_50, %concatenate3A_53 : vector<8x16384xf32>
    %slice3A_55 = vector.extract_strided_slice %min3A_54 {offsets = [4, 0], sizes = [4, 16384], strides = [1, 1]} : vector<8x16384xf32> to vector<4x16384xf32>
    %slice3A_56 = vector.extract_strided_slice %min3A_54 {offsets = [0, 0], sizes = [4, 16384], strides = [1, 1]} : vector<8x16384xf32> to vector<4x16384xf32>
    %concatenate3A_57 = tpu.concatenate %slice3A_55, %slice3A_56 in 0 : vector<4x16384xf32>, vector<4x16384xf32> -> vector<8x16384xf32>
    %min3A_58 = arith.minimumf %min3A_54, %concatenate3A_57 : vector<8x16384xf32>
    %eq3A_59 = arith.cmpf oeq, %add3A_46, %min3A_58 : vector<8x16384xf32>
    %convert_element_type3A_60 = arith.extui %eq3A_59 : vector<8x16384xi1> to vector<8x16384xi32>
    %convert_element_type3A_61 = arith.sitofp %convert_element_type3A_60 : vector<8x16384xi32> to vector<8x16384xf32>
    %dot_general3A_62 = arith.constant dense<0.000000e+00> : vector<8x16384xf32>
    %dot_general3A_63 = tpu.matmul %get3A_4, %convert_element_type3A_61, %dot_general3A_62 {dimension_numbers = #tpu.dot_dimension_numbers<[1], [0], [0], [1], [0, 0, 1, 1], [], []>, transpose_lhs_hint = false} : vector<8x8xf32>, vector<8x16384xf32>, vector<8x16384xf32> -> vector<8x16384xf32>
    %swap3A_64 = arith.constant 1 : index
    %swap3A_65 = arith.constant 0 : index
    %swap3A_66 = arith.constant 0 : index
    %swap3A_67 = vector.load %arg5[%swap3A_64, %swap3A_65, %swap3A_66] : memref<4x8x16384xf32, #tpu.memory_space<vmem>>, vector<1x8x16384xf32>
    %swap3A_68 = vector.shape_cast %swap3A_67 : vector<1x8x16384xf32> to vector<8x16384xf32>
    %swap3A_69 = vector.shape_cast %dot_general3A_63 : vector<8x16384xf32> to vector<1x8x16384xf32>
    tpu.vector_store %arg5[%swap3A_64, %swap3A_65, %swap3A_66], %swap3A_69 {strides = array<i32>} : memref<4x8x16384xf32, #tpu.memory_space<vmem>>, vector<1x8x16384xf32>,
    %swap3A_70 = arith.constant 1 : index
    %swap3A_71 = arith.constant 0 : index
    %swap3A_72 = arith.constant 0 : index
    %swap3A_73 = vector.load %arg6[%swap3A_70, %swap3A_71, %swap3A_72] : memref<4x8x16384xf32, #tpu.memory_space<vmem>>, vector<1x8x16384xf32>
    %swap3A_74 = vector.shape_cast %swap3A_73 : vector<1x8x16384xf32> to vector<8x16384xf32>
    %swap3A_75 = vector.shape_cast %dot_general3A_63 : vector<8x16384xf32> to vector<1x8x16384xf32>
    tpu.vector_store %arg6[%swap3A_70, %swap3A_71, %swap3A_72], %swap3A_75 {strides = array<i32>} : memref<4x8x16384xf32, #tpu.memory_space<vmem>>, vector<1x8x16384xf32>,
    %get3A_76 = arith.constant 2 : index
    %get3A_77 = arith.constant 0 : index
    %get3A_78 = arith.constant 0 : index
    %get3A_79 = vector.load %arg1[%get3A_76, %get3A_77, %get3A_78] : memref<4x8x16384xf32, #tpu.memory_space<vmem>>, vector<1x8x16384xf32>
    %get3A_80 = vector.shape_cast %get3A_79 : vector<1x8x16384xf32> to vector<8x16384xf32>
    %dot_general3A_81 = arith.constant dense<0.000000e+00> : vector<8x16384xf32>
    %dot_general3A_82 = tpu.matmul %get3A_1, %get3A_80, %dot_general3A_81 {dimension_numbers = #tpu.dot_dimension_numbers<[1], [0], [0], [1], [0, 0, 1, 1], [], []>, transpose_lhs_hint = false} : vector<8x8xf32>, vector<8x16384xf32>, vector<8x16384xf32> -> vector<8x16384xf32>
    %add3A_83 = vector.broadcast %get3A_7 : vector<8x1xf32> to vector<8x16384xf32>
    %add3A_84 = arith.addf %dot_general3A_82, %add3A_83 : vector<8x16384xf32>
    %slice3A_85 = vector.extract_strided_slice %add3A_84 {offsets = [7, 0], sizes = [1, 16384], strides = [1, 1]} : vector<8x16384xf32> to vector<1x16384xf32>
    %slice3A_86 = vector.extract_strided_slice %add3A_84 {offsets = [0, 0], sizes = [7, 16384], strides = [1, 1]} : vector<8x16384xf32> to vector<7x16384xf32>
    %concatenate3A_87 = tpu.concatenate %slice3A_85, %slice3A_86 in 0 : vector<1x16384xf32>, vector<7x16384xf32> -> vector<8x16384xf32>
    %min3A_88 = arith.minimumf %add3A_84, %concatenate3A_87 : vector<8x16384xf32>
    %slice3A_89 = vector.extract_strided_slice %min3A_88 {offsets = [6, 0], sizes = [2, 16384], strides = [1, 1]} : vector<8x16384xf32> to vector<2x16384xf32>
    %slice3A_90 = vector.extract_strided_slice %min3A_88 {offsets = [0, 0], sizes = [6, 16384], strides = [1, 1]} : vector<8x16384xf32> to vector<6x16384xf32>
    %concatenate3A_91 = tpu.concatenate %slice3A_89, %slice3A_90 in 0 : vector<2x16384xf32>, vector<6x16384xf32> -> vector<8x16384xf32>
    %min3A_92 = arith.minimumf %min3A_88, %concatenate3A_91 : vector<8x16384xf32>
    %slice3A_93 = vector.extract_strided_slice %min3A_92 {offsets = [4, 0], sizes = [4, 16384], strides = [1, 1]} : vector<8x16384xf32> to vector<4x16384xf32>
    %slice3A_94 = vector.extract_strided_slice %min3A_92 {offsets = [0, 0], sizes = [4, 16384], strides = [1, 1]} : vector<8x16384xf32> to vector<4x16384xf32>
    %concatenate3A_95 = tpu.concatenate %slice3A_93, %slice3A_94 in 0 : vector<4x16384xf32>, vector<4x16384xf32> -> vector<8x16384xf32>
    %min3A_96 = arith.minimumf %min3A_92, %concatenate3A_95 : vector<8x16384xf32>
    %eq3A_97 = arith.cmpf oeq, %add3A_84, %min3A_96 : vector<8x16384xf32>
    %convert_element_type3A_98 = arith.extui %eq3A_97 : vector<8x16384xi1> to vector<8x16384xi32>
    %convert_element_type3A_99 = arith.sitofp %convert_element_type3A_98 : vector<8x16384xi32> to vector<8x16384xf32>
    %dot_general3A_100 = arith.constant dense<0.000000e+00> : vector<8x16384xf32>
    %dot_general3A_101 = tpu.matmul %get3A_4, %convert_element_type3A_99, %dot_general3A_100 {dimension_numbers = #tpu.dot_dimension_numbers<[1], [0], [0], [1], [0, 0, 1, 1], [], []>, transpose_lhs_hint = false} : vector<8x8xf32>, vector<8x16384xf32>, vector<8x16384xf32> -> vector<8x16384xf32>
    %swap3A_102 = arith.constant 2 : index
    %swap3A_103 = arith.constant 0 : index
    %swap3A_104 = arith.constant 0 : index
    %swap3A_105 = vector.load %arg5[%swap3A_102, %swap3A_103, %swap3A_104] : memref<4x8x16384xf32, #tpu.memory_space<vmem>>, vector<1x8x16384xf32>
    %swap3A_106 = vector.shape_cast %swap3A_105 : vector<1x8x16384xf32> to vector<8x16384xf32>
    %swap3A_107 = vector.shape_cast %dot_general3A_101 : vector<8x16384xf32> to vector<1x8x16384xf32>
    tpu.vector_store %arg5[%swap3A_102, %swap3A_103, %swap3A_104], %swap3A_107 {strides = array<i32>} : memref<4x8x16384xf32, #tpu.memory_space<vmem>>, vector<1x8x16384xf32>,
    %swap3A_108 = arith.constant 2 : index
    %swap3A_109 = arith.constant 0 : index
    %swap3A_110 = arith.constant 0 : index
    %swap3A_111 = vector.load %arg6[%swap3A_108, %swap3A_109, %swap3A_110] : memref<4x8x16384xf32, #tpu.memory_space<vmem>>, vector<1x8x16384xf32>
    %swap3A_112 = vector.shape_cast %swap3A_111 : vector<1x8x16384xf32> to vector<8x16384xf32>
    %swap3A_113 = vector.shape_cast %dot_general3A_101 : vector<8x16384xf32> to vector<1x8x16384xf32>
    tpu.vector_store %arg6[%swap3A_108, %swap3A_109, %swap3A_110], %swap3A_113 {strides = array<i32>} : memref<4x8x16384xf32, #tpu.memory_space<vmem>>, vector<1x8x16384xf32>,
    %get3A_114 = arith.constant 3 : index
    %get3A_115 = arith.constant 0 : index
    %get3A_116 = arith.constant 0 : index
    %get3A_117 = vector.load %arg1[%get3A_114, %get3A_115, %get3A_116] : memref<4x8x16384xf32, #tpu.memory_space<vmem>>, vector<1x8x16384xf32>
    %get3A_118 = vector.shape_cast %get3A_117 : vector<1x8x16384xf32> to vector<8x16384xf32>
    %dot_general3A_119 = arith.constant dense<0.000000e+00> : vector<8x16384xf32>
    %dot_general3A_120 = tpu.matmul %get3A_1, %get3A_118, %dot_general3A_119 {dimension_numbers = #tpu.dot_dimension_numbers<[1], [0], [0], [1], [0, 0, 1, 1], [], []>, transpose_lhs_hint = false} : vector<8x8xf32>, vector<8x16384xf32>, vector<8x16384xf32> -> vector<8x16384xf32>
    %add3A_121 = vector.broadcast %get3A_7 : vector<8x1xf32> to vector<8x16384xf32>
    %add3A_122 = arith.addf %dot_general3A_120, %add3A_121 : vector<8x16384xf32>
    %slice3A_123 = vector.extract_strided_slice %add3A_122 {offsets = [7, 0], sizes = [1, 16384], strides = [1, 1]} : vector<8x16384xf32> to vector<1x16384xf32>
    %slice3A_124 = vector.extract_strided_slice %add3A_122 {offsets = [0, 0], sizes = [7, 16384], strides = [1, 1]} : vector<8x16384xf32> to vector<7x16384xf32>
    %concatenate3A_125 = tpu.concatenate %slice3A_123, %slice3A_124 in 0 : vector<1x16384xf32>, vector<7x16384xf32> -> vector<8x16384xf32>
    %min3A_126 = arith.minimumf %add3A_122, %concatenate3A_125 : vector<8x16384xf32>
    %slice3A_127 = vector.extract_strided_slice %min3A_126 {offsets = [6, 0], sizes = [2, 16384], strides = [1, 1]} : vector<8x16384xf32> to vector<2x16384xf32>
    %slice3A_128 = vector.extract_strided_slice %min3A_126 {offsets = [0, 0], sizes = [6, 16384], strides = [1, 1]} : vector<8x16384xf32> to vector<6x16384xf32>
    %concatenate3A_129 = tpu.concatenate %slice3A_127, %slice3A_128 in 0 : vector<2x16384xf32>, vector<6x16384xf32> -> vector<8x16384xf32>
    %min3A_130 = arith.minimumf %min3A_126, %concatenate3A_129 : vector<8x16384xf32>
    %slice3A_131 = vector.extract_strided_slice %min3A_130 {offsets = [4, 0], sizes = [4, 16384], strides = [1, 1]} : vector<8x16384xf32> to vector<4x16384xf32>
    %slice3A_132 = vector.extract_strided_slice %min3A_130 {offsets = [0, 0], sizes = [4, 16384], strides = [1, 1]} : vector<8x16384xf32> to vector<4x16384xf32>
    %concatenate3A_133 = tpu.concatenate %slice3A_131, %slice3A_132 in 0 : vector<4x16384xf32>, vector<4x16384xf32> -> vector<8x16384xf32>
    %min3A_134 = arith.minimumf %min3A_130, %concatenate3A_133 : vector<8x16384xf32>
    %eq3A_135 = arith.cmpf oeq, %add3A_122, %min3A_134 : vector<8x16384xf32>
    %convert_element_type3A_136 = arith.extui %eq3A_135 : vector<8x16384xi1> to vector<8x16384xi32>
    %convert_element_type3A_137 = arith.sitofp %convert_element_type3A_136 : vector<8x16384xi32> to vector<8x16384xf32>
    %dot_general3A_138 = arith.constant dense<0.000000e+00> : vector<8x16384xf32>
    %dot_general3A_139 = tpu.matmul %get3A_4, %convert_element_type3A_137, %dot_general3A_138 {dimension_numbers = #tpu.dot_dimension_numbers<[1], [0], [0], [1], [0, 0, 1, 1], [], []>, transpose_lhs_hint = false} : vector<8x8xf32>, vector<8x16384xf32>, vector<8x16384xf32> -> vector<8x16384xf32>
    %swap3A_140 = arith.constant 3 : index
    %swap3A_141 = arith.constant 0 : index
    %swap3A_142 = arith.constant 0 : index
    %swap3A_143 = vector.load %arg5[%swap3A_140, %swap3A_141, %swap3A_142] : memref<4x8x16384xf32, #tpu.memory_space<vmem>>, vector<1x8x16384xf32>
    %swap3A_144 = vector.shape_cast %swap3A_143 : vector<1x8x16384xf32> to vector<8x16384xf32>
    %swap3A_145 = vector.shape_cast %dot_general3A_139 : vector<8x16384xf32> to vector<1x8x16384xf32>
    tpu.vector_store %arg5[%swap3A_140, %swap3A_141, %swap3A_142], %swap3A_145 {strides = array<i32>} : memref<4x8x16384xf32, #tpu.memory_space<vmem>>, vector<1x8x16384xf32>,
    %swap3A_146 = arith.constant 3 : index
    %swap3A_147 = arith.constant 0 : index
    %swap3A_148 = arith.constant 0 : index
    %swap3A_149 = vector.load %arg6[%swap3A_146, %swap3A_147, %swap3A_148] : memref<4x8x16384xf32, #tpu.memory_space<vmem>>, vector<1x8x16384xf32>
    %swap3A_150 = vector.shape_cast %swap3A_149 : vector<1x8x16384xf32> to vector<8x16384xf32>
    %swap3A_151 = vector.shape_cast %dot_general3A_139 : vector<8x16384xf32> to vector<1x8x16384xf32>
    tpu.vector_store %arg6[%swap3A_146, %swap3A_147, %swap3A_148], %swap3A_151 {strides = array<i32>} : memref<4x8x16384xf32, #tpu.memory_space<vmem>>, vector<1x8x16384xf32>,
    return
  }
  func.func @transform_0(%arg0: i32) -> (i32, i32, i32) {
    %c0_i32 = arith.constant 0 : i32
    %c0_i32_0 = arith.constant 0 : i32
    %c0_i32_1 = arith.constant 0 : i32
    return %c0_i32, %c0_i32_0, %arg0 : i32, i32, i32
  }
  func.func @transform_1(%arg0: i32) -> (i32, i32) {
    %c0_i32 = arith.constant 0 : i32
    %c0_i32_0 = arith.constant 0 : i32
    %c0_i32_1 = arith.constant 0 : i32
    return %c0_i32, %c0_i32_0 : i32, i32
  }
  func.func @transform_2(%arg0: i32) -> (i32, i32) {
    %c0_i32 = arith.constant 0 : i32
    %c0_i32_0 = arith.constant 0 : i32
    %c0_i32_1 = arith.constant 0 : i32
    return %c0_i32, %c0_i32_0 : i32, i32
  }
  func.func @transform_3(%arg0: i32) -> (i32, i32) {
    %c0_i32 = arith.constant 0 : i32
    %c0_i32_0 = arith.constant 0 : i32
    %c0_i32_1 = arith.constant 0 : i32
    return %c0_i32, %c0_i32_0 : i32, i32
  }
  func.func @transform_4(%arg0: i32) -> (i32, i32, i32) {
    %c0_i32 = arith.constant 0 : i32
    %c0_i32_0 = arith.constant 0 : i32
    %c0_i32_1 = arith.constant 0 : i32
    return %c0_i32, %c0_i32_0, %arg0 : i32, i32, i32
  }
  func.func @transform_5(%arg0: i32) -> (i32, i32, i32) {
    %c0_i32 = arith.constant 0 : i32
    %c0_i32_0 = arith.constant 0 : i32
    %c0_i32_1 = arith.constant 0 : i32
    return %c0_i32, %c0_i32_0, %arg0 : i32, i32, i32
  }
}

</mosaic_0001>

<sc_bundles>
// kernel: kernel.4.cloned.1.call-start
scs
__scs_entry_jumppad:
0x0: {  	(pc) =	sbr.rel $0x88, $3  }
0x1: {  	(tag) =	ssettag $0x0;
	lr =	simm.s32 $0x1  }
0x2: {  	[smem:$0x3F9F] =	sst lr;
	_ =	strace $0xD0000000  }
0x3: {  	_ = 	snop  }
0x4: {  	_ = 	snop  }
0x5: {  	_ = 	snop  }
0x6: {  	_ = 	snop  }
0x7: {  	_ = 	snop  }
__scs_overlays_trampoline_lowered:
0x8: {  	[smem:$0x3FAE] =	sst s0  }
0x9: {  	[smem:$0x3FAF] =	sst s1  }
0xa: {  	[smem:$0x3FB0] =	sst s2  }
0xb: {  	[smem:$0x3FB1] =	sst s3  }
0xc: {  	[smem:$0x3FB2] =	sst s4  }
0xd: {  	[smem:$0x3FB3] =	sst s5  }
0xe: {  	[smem:$0x3FB4] =	sst s6  }
0xf: {  	[smem:$0x3FB5] =	sst s7  }
0x10: {  	[smem:$0x3FB6] =	sst s8  }
0x11: {  	[smem:$0x3FB7] =	sst s9;
	s0 =	simm.s32 @!p0 $0x0  }
0x12: {  	s1 =	sld [smem:$0x3F9D];
	s0 =	simm.s32 @p0 $0x1  }
0x13: {  	[smem:$0x3FB8] =	sst s0;
	s0 =	simm.s32 @!p1 $0x0  }
0x14: {  	s2 =	sld [smem:$0x3F9C];
	s0 =	simm.s32 @p1 $0x1  }
0x15: {  	[smem:$0x3FB9] =	sst s0;
	s0 =	simm.s32 @!p2 $0x0  }
0x16: {  	s3 =	sld [smem:$0x3FDB];
	s0 =	simm.s32 @p2 $0x1  }
0x17: {  	s4 =	simm.s32 $0x1BF5;
	[smem:$0x3FBB] =	sst s0  }
0x18: {  	s0 =	sld [smem:$0x3F9E];
	_ =	swait.ge [sflag:s4], $0x0  }
0x19: {  	s7 =	sld [smem:$0x3F9F]  }
0x1a: {  	s8 =	sadd.s32 $0xFFFFE003, lr  }
0x1b: {  	s9 =	sadd.s32 $0xFFFFFEF7, lr;
	s5 =	simm.s32 $0xFFFFFFFF;
	p2 =	slt.u32 s8, $0xFFFFF086  }
0x1c: {  	p1 =	slt.u32 s9, $0xF7A;
	s5 =	simm.s32 @!p2 $0x0  }
0x1d: {  	s5 =	simm.s32 @p1 $0x1;
	p0 =	seq.s32 s7, s2  }
0x1e: {  	s7 =	smul.u32 @!p0 $0xF7A, s2;
	p2 =	seq.s32 @!p0 s5, $0x0  }
0x1f: {  	s9 =	smul.u32 $0xF7A, s1;
	s8 =	simm.s32 @!p0 $0x1BF5;
	p2 =	por !p2, p0  }
0x20: {  	[sflag:s8] =	ssyncset.s32 @!p0 $0xFFFFF086;
	s6 =	sadd.s32 @!p0 s3, s7;
	s7 =	simm.s32 @!p0 $0x108  }
0x21: {  	s3 =	sadd.s32 s3, s9;
	s6 =	sadd.s32 @!p0 $0x88, s6;
	s7 =	simm.s32 @p2 $0x1082  }
0x22: {  	[simem:s7], [sflag:s8] =	dma.local @!p0 [hbm:s6], $0xF7A  }
0x23: {  	s9 =	sor.u32 $0xD0000000, s2;
	s6 =	simm.s32 $0x108;
	_ =	swait.ge @!p0 [sflag:s8], $0x0  }
0x24: {  	s3 =	sadd.s32 $0x88, s3;
	s6 =	simm.s32 @!p1 $0x1082;
	[sflag:s4] =	ssyncset.s32 $0xFFFFF086  }
0x25: {  	[simem:s6], [sflag:s4] =	dma.local [hbm:s3], $0xF7A  }
0x26: {  	[smem:$0x3F9F] =	sst s1;
	(tag) =	ssettag s2;
	_ =	strace s9  }
0x27: {  	s1 =	sld [smem:$0x3FAF]  }
0x28: {  	s2 =	sld [smem:$0x3FB0]  }
0x29: {  	s4 =	sld [smem:$0x3FB2]  }
0x2a: {  	p0 =	seq.s32 s5, $0x0;
	s5 =	sld [smem:$0x3FB3]  }
0x2b: {  	s6 =	sld [smem:$0x3FB4]  }
0x2c: {  	s7 =	sld [smem:$0x3FB5]  }
0x2d: {  	s3 =	simm.s32 $0x108;
	s8 =	sld [smem:$0x3FB6]  }
0x2e: {  	s3 =	simm.s32 @!p0 $0x1082;
	s9 =	sld [smem:$0x3FB7]  }
0x2f: {  	lr =	sadd.s32 s0, s3;
	s0 =	sld [smem:$0x3FAE]  }
0x30: {  	s3 =	sld [smem:$0x3FB1]  }
0x31: {  	[smem:$0x3FBA] =	sst s10  }
0x32: {  	s10 =	sld [smem:$0x3FB8];
	_ =	sdelay $0x3  }
0x33: {  	p0 =	seq.s32 s10, $0x1;
	s10 =	sld [smem:$0x3FBA];
	_ =	sdelay $0x3  }
0x34: {  	[smem:$0x3FBA] =	sst s10  }
0x35: {  	s10 =	sld [smem:$0x3FB9];
	_ =	sdelay $0x3  }
0x36: {  	p1 =	seq.s32 s10, $0x1;
	s10 =	sld [smem:$0x3FBA];
	_ =	sdelay $0x3  }
0x37: {  	[smem:$0x3FBA] =	sst s10  }
0x38: {  	s10 =	sld [smem:$0x3FBB]  }
0x39: {  	_ = 	snop;
	(pc) =	sbr.ind lr, $3  }
0x3a: {  	_ = 	snop  }
0x3b: {  	_ = 	snop  }
0x3c: {  	p2 =	seq.s32 s10, $0x1;
	s10 =	sld [smem:$0x3FBA]  }
0x3d: {  	_ =	shalt  }
0x3e: {  	_ =	shalt  }
0x3f: {  	_ =	shalt  }
0x40: {  	_ =	shalt  }
0x41: {  	_ =	shalt  }
0x42: {  	_ =	shalt  }
0x43: {  	_ =	shalt  }
0x44: {  	_ =	shalt  }
0x45: {  	_ =	shalt  }
0x46: {  	_ =	shalt  }
0x47: {  	_ =	shalt  }
0x48: {  	_ =	shalt  }
0x49: {  	_ =	shalt  }
0x4a: {  	_ =	shalt  }
0x4b: {  	_ =	shalt  }
0x4c: {  	_ =	shalt  }
0x4d: {  	_ =	shalt  }
0x4e: {  	_ =	shalt  }
0x4f: {  	_ =	shalt  }
0x50: {  	_ =	shalt  }
0x51: {  	_ =	shalt  }
0x52: {  	_ =	shalt  }
0x53: {  	_ =	shalt  }
0x54: {  	_ =	shalt  }
0x55: {  	_ =	shalt  }
0x56: {  	_ =	shalt  }
0x57: {  	_ =	shalt  }
0x58: {  	_ =	shalt  }
0x59: {  	_ =	shalt  }
0x5a: {  	_ =	shalt  }
0x5b: {  	_ =	shalt  }
0x5c: {  	_ =	shalt  }
0x5d: {  	_ =	shalt  }
0x5e: {  	_ =	shalt  }
0x5f: {  	_ =	shalt  }
0x60: {  	_ =	shalt  }
0x61: {  	_ =	shalt  }
0x62: {  	_ =	shalt  }
0x63: {  	_ =	shalt  }
0x64: {  	_ =	shalt  }
0x65: {  	_ =	shalt  }
0x66: {  	_ =	shalt  }
0x67: {  	_ =	shalt  }
0x68: {  	_ =	shalt  }
0x69: {  	_ =	shalt  }
0x6a: {  	_ =	shalt  }
0x6b: {  	_ =	shalt  }
0x6c: {  	_ =	shalt  }
0x6d: {  	_ =	shalt  }
0x6e: {  	_ =	shalt  }
0x6f: {  	_ =	shalt  }
0x70: {  	_ =	shalt  }
0x71: {  	_ =	shalt  }
0x72: {  	_ =	shalt  }
0x73: {  	_ =	shalt  }
0x74: {  	_ =	shalt  }
0x75: {  	_ =	shalt  }
0x76: {  	_ =	shalt  }
0x77: {  	_ =	shalt  }
0x78: {  	_ =	shalt  }
0x79: {  	_ =	shalt  }
0x7a: {  	_ =	shalt  }
0x7b: {  	_ =	shalt  }
0x7c: {  	_ =	shalt  }
0x7d: {  	_ =	shalt  }
0x7e: {  	_ =	shalt  }
0x7f: {  	_ =	shalt  }
0x80: {  	_ =	shalt  }
0x81: {  	_ =	shalt  }
0x82: {  	_ =	shalt  }
0x83: {  	_ =	shalt  }
0x84: {  	_ =	shalt  }
0x85: {  	_ =	shalt  }
0x86: {  	_ =	shalt  }
0x87: {  	_ =	shalt  }
.Lfunc_end0:
.L_simem_size_0:
called_computation_lowered:
.L_overlay_start_0:
0x88: {  	s2 =	sld [smem:$0x3FD9]  }
0x89: {  	s3 =	sld [smem:$0x3FFE];
	_ =	sdelay $0x1  }
0x8a: {  	s1 =	srdreg.scid  }
0x8b: {  	s0 =	sand.u32 $0x1, s1  }
0x8c: {  	s14 =	sshll.u32 s0, $0xA;
	s2 =	sadd.s32 s3, s2  }
0x8d: {  	s2 =	sadd.s32 s2, s14  }
0x8e: {  	[smem:$0x3FC6] =	sst s2  }
0x8f: {  	_ = 	snop  }
0x90: {  	s2 =	sld [smem:$0x3FD0];
	_ =	sdelay $0x2  }
0x91: {  	s15 =	simm.s32 $0xA;
	s4 =	simm.s32 $0x10  }
0x92: {  	[smem:s4], [sflag:s15] =	dma.local [hbm:s2], $0x1  }
0x93: {  	_ =	swait.eq [sflag:s15], $0x1  }
0x94: {  	[sflag:s15] =	ssyncset.done $0x0  }
0x95: {  	[sflag:s15] =	ssyncadd.s32 $0xFFFFFFFF  }
0x96: {  	s16 =	sld [smem:$0x12];
	(tm) =	ssettm $0x1  }
0x97: {  	s17 =	sld [smem:$0x3FFB];
	_ =	sdelay $0x3  }
0x98: {  	_ =	strace s17  }
0x99: {  	s3 =	sld [smem:$0x3FFC];
	_ =	sdelay $0x3  }
0x9a: {  	_ =	strace s3  }
0x9b: {  	s3 =	sld [smem:$0x3FFD];
	_ =	sdelay $0x3  }
0x9c: {  	_ =	strace s3  }
0x9d: {  	_ =	strace $0x8FFFFFFF  }
0x9e: {  	s18 =	sld [smem:$0x3FDB];
	_ =	sdelay $0x1  }
0x9f: {  	s19 =	simm.s32 $_scs_section_size  }
0xa0: {  	s5 =	simm.s32 $_size__tile_overlayer_lowered;
	s6 =	simm.s32 $_tile_overlayer_lowered  }
0xa1: {  	s22 =	simm.s32 $0x1BFF;
	s21 =	sshll.u32 s6, $0x1;
	s3 =	sadd.s32 s19, s18  }
0xa2: {  	s7 =	simm.s32 $0x0;
	s20 =	sshll.u32 s5, $0x1;
	s5 =	sadd.s32 s21, s3  }
0xa3: {  	[timem:s7], [sflag:s22] =	dma.local [hbm:s5], s20  }
0xa4: {  	_ =	swait.ge [sflag:s22], s20  }
0xa5: {  	s4 =	ssub.s32 $0x0, s20;
	[sflag:s22] =	ssyncset.done $0x0  }
0xa6: {  	[sflag:s22] =	ssyncadd.s32 s4;
	_ =	sdelay $0x1  }
0xa7: {  	s23 =	simm.s32 $0x1B8B  }
0xa8: {  	_ =	swait.ge [sflag:s23], $0x1  }
0xa9: {  	[sflag:s23] =	ssyncset.done $0x0  }
0xaa: {  	s25 =	simm.s32 $0x1B8E;
	s24 =	sld [smem:$0x3FFE];
	[sflag:s23] =	ssyncadd.s32 $0xFFFFFFFF  }
0xab: {  	s26 =	simm.s32 $execute0_lowered;
	[smem:$0x3FD2] =	sst s25  }
0xac: {  	s5 =	sshll.u32 s26, $0x1;
	_ =	strace $0x80000046;
	[dreg:$0x1] =	wrdreg $0xFFFFFFFF  }
0xad: {  	s28 =	simm.s32 $_size_execute0_lowered;
	s3 =	sadd.s32 s3, s5;
	[dreg:$0x0] =	wrdreg $0x0  }
0xae: {  	s5 =	sshll.u32 s28, $0x1;
	[dreg:$0x2] =	wrdreg s3  }
0xaf: {  	[dreg:$0x3] =	wrdreg s5  }
0xb0: {  	[dreg:$0x4] =	wrdreg $0xC0  }
0xb1: {  	_ =	task [dreg:s7], $0x5FFFF  }
0xb2: {  	[dreg:$0x1] =	wrdreg $0xFFFFFFFF  }
0xb3: {  	[dreg:$0x0] =	wrdreg $0x60  }
0xb4: {  	[dreg:$0x2] =	wrdreg s24  }
0xb5: {  	[dreg:$0x3] =	wrdreg s16  }
0xb6: {  	[dreg:$0x4] =	wrdreg $0x9  }
0xb7: {  	_ =	task.clear_ibuf [dreg:s7], $0x5FFFF;
	_ =	strace $0x90000046  }
0xb8: {  	s29 =	simm.s32 $0x9;
	_ =	strace $0x80000048  }
0xb9: {  	_ =	swait.ge [sflag:s29], $0x1  }
0xba: {  	[sflag:s29] =	ssyncadd.s32 $0xFFFFFFFF  }
0xbb: {  	_ =	strace $0x90000048  }
0xbc: {  	_ =	sfence  }
0xbd: {  	s30 =	sld [smem:$0x0];
	_ =	sdelay $0x2  }
0xbe: {  	s31 =	sshll.u32 s1, $0xD;
	s1 =	sshrl.u32 s1, $0x2  }
0xbf: {  	s3 =	sand.u32 $0x4000, s31;
	s1 =	sadd.s32 s1, s30  }
0xc0: {  	s0 =	sor.u32 s3, s0;
	s1 =	sshll.u32 s1, $0x11  }
0xc1: {  	s0 =	sor.u32 s1, s0  }
0xc2: {  	s0 =	sadd.s32 $0x8F2B, s0  }
0xc3: {  	[sflag:s0] =	ssyncadd.remote.s32 $0x1  }
0xc4: {  	_ =	sfence.sel $0xFFFF  }
0xc5: {  	[dreg:$0x0] =	wrdreg $0xFFFFFFFF;
	(pc) =	sbr.abs _section_cstart, $3  }
0xc6: {  	[dreg:$0x1] =	wrdreg $0xFFFFFFFF  }
0xc7: {  	_ =	task.clear_ibuf [dreg:s7], $0x2FFFF;
	_ =	strace $0x9FFFFFFF  }
0xc8: {  	(tm) =	ssettm $0x7FFFFFFF  }
0xc9: {  	_ =	shalt  }
tec
execute0_lowered:
.L_overlay_start_1:
0x0: {  	(tag) =	ssettag $0x1  }
0x1: {  	s1 =	rddreg [dreg:$0x0]  }
0x2: {  	s5 =	rddreg [dreg:$0x1]  }
0x3: {  	s0 =	rddreg [dreg:$0x2];
	s2 =	simm.s32 $0x0;
	s4 =	srdreg.scid  }
0x4: {  	[smem:$0x7FF] =	sst s2;
	s3 =	sadd.s32 $0x800, s1;
	s1 =	stileid.u32  }
0x5: {  	s30 =	sand.u32 $0x1, s4;
	s4 =	simm.s32 $0x2;
	_ =	strace $0x80000047  }
0x6: {  	[tilespmem:s2], [sflag:$0x2] =	stream.linear.gather [hbm4b:s3+s2], $0x10000, $0x38;
	[tilespmem:$0x10000] =	vst v63  }
0x7: {  	s6 =	sshll.u32 s1, $0xC;
	s7 =	sshll.u32 s30, $0xB;
	_ =	swait.ge [sflag:s4], $0x10000  }
0x8: {  	s6 =	sor.u32 s7, s6;
	[sflag:s4] =	ssyncset.done $0x0  }
0x9: {  	s5 =	sadd.s32 s5, s6;
	[sflag:s4] =	ssyncadd.s32 $0xFFFF0000  }
0xa: {  	[hbm4b:s5+s2] =	stream.linear.scatter [tilespmem:s2], [sflag:$0x1], $0x2000, $0x38;
	[tilespmem:$0x10000] =	vst v63  }
0xb: {  	s6 =	sadd.s32 $0x400, s5  }
0xc: {  	[hbm4b:s6+s2] =	stream.linear.scatter [tilespmem:s2], [sflag:$0x1], $0x2000, $0x38;
	[tilespmem:$0x10000] =	vst v63  }
0xd: {  	s8 =	simm.s32 $0x2000;
	s7 =	sadd.s32 $0x10000, s5  }
0xe: {  	[hbm4b:s7+s2] =	stream.linear.scatter [tilespmem:s8], [sflag:$0x1], $0x2000, $0x38;
	[tilespmem:$0x10000] =	vst v63  }
0xf: {  	s9 =	sadd.s32 $0x10400, s5  }
0x10: {  	[hbm4b:s9+s2] =	stream.linear.scatter [tilespmem:s8], [sflag:$0x1], $0x2000, $0x38;
	[tilespmem:$0x10000] =	vst v63  }
0x11: {  	s11 =	simm.s32 $0x4000;
	s10 =	sadd.s32 $0x20000, s5  }
0x12: {  	[hbm4b:s10+s2] =	stream.linear.scatter [tilespmem:s11], [sflag:$0x1], $0x2000, $0x38;
	[tilespmem:$0x10000] =	vst v63  }
0x13: {  	s12 =	sadd.s32 $0x20400, s5  }
0x14: {  	[hbm4b:s12+s2] =	stream.linear.scatter [tilespmem:s11], [sflag:$0x1], $0x2000, $0x38;
	[tilespmem:$0x10000] =	vst v63  }
0x15: {  	s14 =	simm.s32 $0x6000;
	s13 =	sadd.s32 $0x30000, s5  }
0x16: {  	[hbm4b:s13+s2] =	stream.linear.scatter [tilespmem:s14], [sflag:$0x1], $0x2000, $0x38;
	[tilespmem:$0x10000] =	vst v63  }
0x17: {  	s15 =	sadd.s32 $0x30400, s5  }
0x18: {  	[hbm4b:s15+s2] =	stream.linear.scatter [tilespmem:s14], [sflag:$0x1], $0x2000, $0x38;
	[tilespmem:$0x10000] =	vst v63  }
0x19: {  	s17 =	simm.s32 $0x8000;
	s16 =	sadd.s32 $0x40000, s5  }
0x1a: {  	[hbm4b:s16+s2] =	stream.linear.scatter [tilespmem:s17], [sflag:$0x1], $0x2000, $0x38;
	[tilespmem:$0x10000] =	vst v63  }
0x1b: {  	s18 =	sadd.s32 $0x40400, s5  }
0x1c: {  	[hbm4b:s18+s2] =	stream.linear.scatter [tilespmem:s17], [sflag:$0x1], $0x2000, $0x38;
	[tilespmem:$0x10000] =	vst v63  }
0x1d: {  	s20 =	simm.s32 $0xA000;
	s19 =	sadd.s32 $0x50000, s5  }
0x1e: {  	[hbm4b:s19+s2] =	stream.linear.scatter [tilespmem:s20], [sflag:$0x1], $0x2000, $0x38;
	[tilespmem:$0x10000] =	vst v63  }
0x1f: {  	s21 =	sadd.s32 $0x50400, s5  }
0x20: {  	[hbm4b:s21+s2] =	stream.linear.scatter [tilespmem:s20], [sflag:$0x1], $0x2000, $0x38;
	[tilespmem:$0x10000] =	vst v63  }
0x21: {  	s23 =	simm.s32 $0xC000;
	s22 =	sadd.s32 $0x60000, s5  }
0x22: {  	[hbm4b:s22+s2] =	stream.linear.scatter [tilespmem:s23], [sflag:$0x1], $0x2000, $0x38;
	[tilespmem:$0x10000] =	vst v63  }
0x23: {  	s24 =	sadd.s32 $0x60400, s5  }
0x24: {  	[hbm4b:s24+s2] =	stream.linear.scatter [tilespmem:s23], [sflag:$0x1], $0x2000, $0x38;
	[tilespmem:$0x10000] =	vst v63  }
0x25: {  	s26 =	simm.s32 $0xE000;
	s25 =	sadd.s32 $0x70000, s5  }
0x26: {  	[hbm4b:s25+s2] =	stream.linear.scatter [tilespmem:s26], [sflag:$0x1], $0x2000, $0x38;
	[tilespmem:$0x10000] =	vst v63  }
0x27: {  	s29 =	simm.s32 $0x1;
	s28 =	sadd.s32 $0x70400, s5  }
0x28: {  	[hbm4b:s28+s2] =	stream.linear.scatter [tilespmem:s26], [sflag:$0x1], $0x2000, $0x38;
	[tilespmem:$0x10000] =	vst v63  }
0x29: {  	_ =	swait.ge [sflag:s29], $0x2000  }
0x2a: {  	[sflag:s29] =	ssyncset.done $0x0  }
0x2b: {  	[sflag:s29] =	ssyncadd.s32 $0xFFFFE000  }
0x2c: {  	_ =	swait.ge [sflag:s29], $0x2000  }
0x2d: {  	[sflag:s29] =	ssyncset.done $0x0  }
0x2e: {  	[sflag:s29] =	ssyncadd.s32 $0xFFFFE000  }
0x2f: {  	_ =	swait.ge [sflag:s29], $0x2000  }
0x30: {  	[sflag:s29] =	ssyncset.done $0x0  }
0x31: {  	[sflag:s29] =	ssyncadd.s32 $0xFFFFE000  }
0x32: {  	_ =	swait.ge [sflag:s29], $0x2000  }
0x33: {  	[sflag:s29] =	ssyncset.done $0x0  }
0x34: {  	[sflag:s29] =	ssyncadd.s32 $0xFFFFE000  }
0x35: {  	_ =	swait.ge [sflag:s29], $0x2000  }
0x36: {  	[sflag:s29] =	ssyncset.done $0x0  }
0x37: {  	[sflag:s29] =	ssyncadd.s32 $0xFFFFE000  }
0x38: {  	_ =	swait.ge [sflag:s29], $0x2000  }
0x39: {  	[sflag:s29] =	ssyncset.done $0x0  }
0x3a: {  	[sflag:s29] =	ssyncadd.s32 $0xFFFFE000  }
0x3b: {  	_ =	swait.ge [sflag:s29], $0x2000  }
0x3c: {  	[sflag:s29] =	ssyncset.done $0x0  }
0x3d: {  	[sflag:s29] =	ssyncadd.s32 $0xFFFFE000  }
0x3e: {  	_ =	swait.ge [sflag:s29], $0x2000  }
0x3f: {  	[sflag:s29] =	ssyncset.done $0x0  }
0x40: {  	[sflag:s29] =	ssyncadd.s32 $0xFFFFE000  }
0x41: {  	_ =	swait.ge [sflag:s29], $0x2000  }
0x42: {  	[sflag:s29] =	ssyncset.done $0x0  }
0x43: {  	[sflag:s29] =	ssyncadd.s32 $0xFFFFE000  }
0x44: {  	_ =	swait.ge [sflag:s29], $0x2000  }
0x45: {  	[sflag:s29] =	ssyncset.done $0x0  }
0x46: {  	[sflag:s29] =	ssyncadd.s32 $0xFFFFE000  }
0x47: {  	_ =	swait.ge [sflag:s29], $0x2000  }
0x48: {  	[sflag:s29] =	ssyncset.done $0x0  }
0x49: {  	[sflag:s29] =	ssyncadd.s32 $0xFFFFE000  }
0x4a: {  	_ =	swait.ge [sflag:s29], $0x2000  }
0x4b: {  	[sflag:s29] =	ssyncset.done $0x0  }
0x4c: {  	[sflag:s29] =	ssyncadd.s32 $0xFFFFE000  }
0x4d: {  	_ =	swait.ge [sflag:s29], $0x2000  }
0x4e: {  	s30 =	ssub.s32 $0x2, s30;
	[sflag:s29] =	ssyncset.done $0x0  }
0x4f: {  	s31 =	sshrl.u32 s30, $0x1;
	[sflag:s29] =	ssyncadd.s32 $0xFFFFE000  }
0x50: {  	s30 =	ssub.s32 s30, s31;
	_ =	swait.ge [sflag:s29], $0x2000  }
0x51: {  	s30 =	smax.u32 s30, $0x1;
	[sflag:s29] =	ssyncset.done $0x0  }
0x52: {  	p0 =	sne.s32 s30, $0x1;
	[sflag:s29] =	ssyncadd.s32 $0xFFFFE000  }
.Ltmp0:
0x53: {  	_ =	swait.ge [sflag:s29], $0x2000;
	(pc) =	sbr.rel @!p0 .LBB2_2-.Ltmp0, $4  }
0x54: {  	[sflag:s29] =	ssyncset.done $0x0  }
0x55: {  	[sflag:s29] =	ssyncadd.s32 $0xFFFFE000  }
0x56: {  	_ =	swait.ge [sflag:s29], $0x2000  }
0x57: {  	s30 =	sadd.s32 $0xFFFFFFFF, s30;
	[sflag:s29] =	ssyncset.done $0x0  }
.LBB2_1:
0x58: {  	p0 =	sne.s32 s30, $0x1;
	s30 =	sadd.s32 $0xFFFFFFFF, s30;
	[sflag:s29] =	ssyncadd.s32 $0xFFFFE000  }
0x59: {  	[tilespmem:s2], [sflag:$0x2] =	stream.linear.gather [hbm4b:s3+s2], $0x10000, $0x38;
	[tilespmem:$0x10000] =	vst v63  }
0x5a: {  	_ =	swait.ge [sflag:s4], $0x10000  }
0x5b: {  	[sflag:s4] =	ssyncset.done $0x0  }
0x5c: {  	[sflag:s4] =	ssyncadd.s32 $0xFFFF0000  }
0x5d: {  	[hbm4b:s5+s2] =	stream.linear.scatter [tilespmem:s2], [sflag:$0x1], $0x2000, $0x38;
	[tilespmem:$0x10000] =	vst v63  }
0x5e: {  	_ = 	snop  }
0x5f: {  	[hbm4b:s6+s2] =	stream.linear.scatter [tilespmem:s2], [sflag:$0x1], $0x2000, $0x38;
	[tilespmem:$0x10000] =	vst v63  }
0x60: {  	_ = 	snop  }
0x61: {  	[hbm4b:s7+s2] =	stream.linear.scatter [tilespmem:s8], [sflag:$0x1], $0x2000, $0x38;
	[tilespmem:$0x10000] =	vst v63  }
0x62: {  	_ = 	snop  }
0x63: {  	[hbm4b:s9+s2] =	stream.linear.scatter [tilespmem:s8], [sflag:$0x1], $0x2000, $0x38;
	[tilespmem:$0x10000] =	vst v63  }
0x64: {  	_ = 	snop  }
0x65: {  	[hbm4b:s10+s2] =	stream.linear.scatter [tilespmem:s11], [sflag:$0x1], $0x2000, $0x38;
	[tilespmem:$0x10000] =	vst v63  }
0x66: {  	_ = 	snop  }
0x67: {  	[hbm4b:s12+s2] =	stream.linear.scatter [tilespmem:s11], [sflag:$0x1], $0x2000, $0x38;
	[tilespmem:$0x10000] =	vst v63  }
0x68: {  	_ = 	snop  }
0x69: {  	[hbm4b:s13+s2] =	stream.linear.scatter [tilespmem:s14], [sflag:$0x1], $0x2000, $0x38;
	[tilespmem:$0x10000] =	vst v63  }
0x6a: {  	_ = 	snop  }
0x6b: {  	[hbm4b:s15+s2] =	stream.linear.scatter [tilespmem:s14], [sflag:$0x1], $0x2000, $0x38;
	[tilespmem:$0x10000] =	vst v63  }
0x6c: {  	_ = 	snop  }
0x6d: {  	[hbm4b:s16+s2] =	stream.linear.scatter [tilespmem:s17], [sflag:$0x1], $0x2000, $0x38;
	[tilespmem:$0x10000] =	vst v63  }
0x6e: {  	_ = 	snop  }
0x6f: {  	[hbm4b:s18+s2] =	stream.linear.scatter [tilespmem:s17], [sflag:$0x1], $0x2000, $0x38;
	[tilespmem:$0x10000] =	vst v63  }
0x70: {  	_ = 	snop  }
0x71: {  	[hbm4b:s19+s2] =	stream.linear.scatter [tilespmem:s20], [sflag:$0x1], $0x2000, $0x38;
	[tilespmem:$0x10000] =	vst v63  }
0x72: {  	_ = 	snop  }
0x73: {  	[hbm4b:s21+s2] =	stream.linear.scatter [tilespmem:s20], [sflag:$0x1], $0x2000, $0x38;
	[tilespmem:$0x10000] =	vst v63  }
0x74: {  	_ = 	snop  }
0x75: {  	[hbm4b:s22+s2] =	stream.linear.scatter [tilespmem:s23], [sflag:$0x1], $0x2000, $0x38;
	[tilespmem:$0x10000] =	vst v63  }
0x76: {  	_ = 	snop  }
0x77: {  	[hbm4b:s24+s2] =	stream.linear.scatter [tilespmem:s23], [sflag:$0x1], $0x2000, $0x38;
	[tilespmem:$0x10000] =	vst v63  }
0x78: {  	_ = 	snop  }
0x79: {  	[hbm4b:s25+s2] =	stream.linear.scatter [tilespmem:s26], [sflag:$0x1], $0x2000, $0x38;
	[tilespmem:$0x10000] =	vst v63  }
0x7a: {  	_ = 	snop  }
0x7b: {  	[hbm4b:s28+s2] =	stream.linear.scatter [tilespmem:s26], [sflag:$0x1], $0x2000, $0x38;
	[tilespmem:$0x10000] =	vst v63  }
0x7c: {  	_ =	swait.ge [sflag:s29], $0x2000  }
0x7d: {  	[sflag:s29] =	ssyncset.done $0x0  }
0x7e: {  	[sflag:s29] =	ssyncadd.s32 $0xFFFFE000  }
0x7f: {  	_ =	swait.ge [sflag:s29], $0x2000  }
0x80: {  	[sflag:s29] =	ssyncset.done $0x0  }
0x81: {  	[sflag:s29] =	ssyncadd.s32 $0xFFFFE000  }
0x82: {  	_ =	swait.ge [sflag:s29], $0x2000  }
0x83: {  	[sflag:s29] =	ssyncset.done $0x0  }
0x84: {  	[sflag:s29] =	ssyncadd.s32 $0xFFFFE000  }
0x85: {  	_ =	swait.ge [sflag:s29], $0x2000  }
0x86: {  	[sflag:s29] =	ssyncset.done $0x0  }
0x87: {  	[sflag:s29] =	ssyncadd.s32 $0xFFFFE000  }
0x88: {  	_ =	swait.ge [sflag:s29], $0x2000  }
0x89: {  	[sflag:s29] =	ssyncset.done $0x0  }
0x8a: {  	[sflag:s29] =	ssyncadd.s32 $0xFFFFE000  }
0x8b: {  	_ =	swait.ge [sflag:s29], $0x2000  }
0x8c: {  	[sflag:s29] =	ssyncset.done $0x0  }
0x8d: {  	[sflag:s29] =	ssyncadd.s32 $0xFFFFE000  }
0x8e: {  	_ =	swait.ge [sflag:s29], $0x2000  }
0x8f: {  	[sflag:s29] =	ssyncset.done $0x0  }
0x90: {  	[sflag:s29] =	ssyncadd.s32 $0xFFFFE000  }
0x91: {  	_ =	swait.ge [sflag:s29], $0x2000  }
0x92: {  	[sflag:s29] =	ssyncset.done $0x0  }
0x93: {  	[sflag:s29] =	ssyncadd.s32 $0xFFFFE000  }
0x94: {  	_ =	swait.ge [sflag:s29], $0x2000  }
0x95: {  	[sflag:s29] =	ssyncset.done $0x0  }
0x96: {  	[sflag:s29] =	ssyncadd.s32 $0xFFFFE000  }
0x97: {  	_ =	swait.ge [sflag:s29], $0x2000  }
0x98: {  	[sflag:s29] =	ssyncset.done $0x0  }
0x99: {  	[sflag:s29] =	ssyncadd.s32 $0xFFFFE000  }
0x9a: {  	_ =	swait.ge [sflag:s29], $0x2000  }
0x9b: {  	[sflag:s29] =	ssyncset.done $0x0  }
0x9c: {  	[sflag:s29] =	ssyncadd.s32 $0xFFFFE000  }
0x9d: {  	_ =	swait.ge [sflag:s29], $0x2000  }
0x9e: {  	[sflag:s29] =	ssyncset.done $0x0  }
0x9f: {  	[sflag:s29] =	ssyncadd.s32 $0xFFFFE000  }
0xa0: {  	_ =	swait.ge [sflag:s29], $0x2000  }
0xa1: {  	[sflag:s29] =	ssyncset.done $0x0  }
0xa2: {  	[sflag:s29] =	ssyncadd.s32 $0xFFFFE000  }
0xa3: {  	_ =	swait.ge [sflag:s29], $0x2000  }
0xa4: {  	[sflag:s29] =	ssyncset.done $0x0  }
0xa5: {  	[sflag:s29] =	ssyncadd.s32 $0xFFFFE000  }
.Ltmp1:
0xa6: {  	_ =	swait.ge [sflag:s29], $0x2000;
	(pc) =	sbr.rel @p0 .LBB2_1-.Ltmp1, $4  }
0xa7: {  	[sflag:s29] =	ssyncset.done $0x0  }
0xa8: {  	[sflag:s29] =	ssyncadd.s32 $0xFFFFE000  }
0xa9: {  	_ =	swait.ge [sflag:s29], $0x2000  }
0xaa: {  	[sflag:s29] =	ssyncset.done $0x0  }
.LBB2_2:
0xab: {  	[sflag:s29] =	ssyncadd.s32 $0xFFFFE000  }
0xac: {  	_ =	sfence.sel $0x180000  }
0xad: {  	[bflag:$0x0] =	sbarrier.arrive $0xFFFF  }
0xae: {  	p0 =	sne.s32 s1, $0x0;
	_ =	strace $0x90000047  }
0xaf: {  	s0 =	sadd.s32 @!p0 $0x100000, s0;
	[bflag:$0x2] =	sbarrier.arrive $0xFFFF  }
0xb0: {  	[sflag:s0] =	ssyncadd.tile.s32 @!p0 $0x1;
	_ =	shalt  }
.Lfunc_end2:
_tile_overlayer_lowered:
.L_overlay_start_2:
0xb1: {  	(tag) =	ssettag $0x2  }
0xb2: {  	s0 =	rddreg [dreg:$0x0];
	s2 =	stileid.u32  }
0xb3: {  	s1 =	rddreg [dreg:$0x1];
	p0 =	sne.s32 s2, $0x0  }
0xb4: {  	s3 =	rddreg [dreg:$0x2];
	[bflag:$0x3] =	sbarrier.arrive $0xFFFF;
	s2 =	simm.s32 @!p0 $0x1C02  }
0xb5: {  	[timem:s3], [sflag:s2] =	dma.local @!p0 [hbm:s0], s1  }
0xb6: {  	s0 =	simm.s32 @!p0 $0x2  }
0xb7: {  	_ =	swait.ge @!p0 [sflag:s0], s1  }
0xb8: {  	s1 =	ssub.s32 @!p0 $0x0, s1;
	[sflag:s0] =	ssyncset.done @!p0 $0x0  }
0xb9: {  	[sflag:s0] =	ssyncadd.s32 @!p0 s1  }
0xba: {  	[bflag:$0x3] =	sbarrier.arrive $0xFFFF  }
0xbb: {  	_ =	shalt  }

</sc_bundles>
